<compile_context>
chip_gen: v7x
topology: tpu7x:2x2x1
jax: 0.10.2.dev20260603
libtpu: 0.0.44.dev20260713+nightly
codegen_flags: <defaults>
</compile_context>

<pallas_src>
import functools

import jax
import jax.numpy as jnp
from jax import lax
from jax.experimental import pallas as pl
from jax.experimental.pallas import tpu as pltpu

N_LAB = 10
T = 20


def _sh(x, k):
    return jnp.concatenate([x[:, k:, :], x[:, :k, :]], axis=1)


def _body(order_sref, starts_sref, counts_sref, x_ref,
          rates_ref, assign_ref, acc_ref, s_ref, *, grid, bb):
    i = pl.program_id(0)

    @pl.when(i == 0)
    def _init():
        acc_ref[...] = jnp.zeros_like(acc_ref)

    n = x_ref.shape[2]

    a = x_ref[:, 0:8, :]
    b4 = x_ref[:, 8:16, :]
    c = x_ref[:, 16:20, :]
    cp = jnp.concatenate([c, jnp.zeros((bb, 4, n), jnp.float32)], axis=1)

    def gtree(x):
        return ((x + _sh(x, 1)) + _sh(x, 2)) + _sh(x, 3)

    ga = gtree(a)
    gb = gtree(b4)
    gc = gtree(cp)
    s = (((ga + _sh(ga, 4)) + gb) + _sh(gb, 4)) + gc
    s_ref[...] = s[:, 0:1, :].reshape(bb, 8, 128)

    for l in range(N_LAB):
        start = starts_sref[i * N_LAB + l]
        cnt = counts_sref[i * N_LAB + l]

        def run(k, acc):
            j = order_sref[i * bb + k]
            return acc + s_ref[j]

        acc = lax.fori_loop(start, start + cnt, run, acc_ref[l])
        acc_ref[l] = acc

    @pl.when(i == grid - 1)
    def _finish():
        means = []
        for l in range(N_LAB):
            c_l = counts_sref[grid * N_LAB + l]
            m_l = acc_ref[l] / jnp.maximum(c_l.astype(jnp.float32), 1.0)
            m_l = jnp.where(c_l > 0, m_l, 0.0)
            means.append(m_l)
            rates_ref[l] = m_l
        m = means[0]
        am = jnp.zeros(m.shape, dtype=jnp.int32)
        for l in range(1, N_LAB):
            gt = means[l] > m
            am = jnp.where(gt, l, am)
            m = jnp.where(gt, means[l], m)
        assign_ref[...] = am


@jax.jit
def kernel(spikes, labels):
    b, t, n = spikes.shape

    grid = 32
    bb = b // grid

    lab_blk = labels.reshape(grid, bb)
    order_local = jnp.argsort(lab_blk, axis=1, stable=True).astype(jnp.int32)
    counts_blk = jax.vmap(
        lambda v: jnp.bincount(v, length=N_LAB))(lab_blk).astype(jnp.int32)
    starts_blk = jnp.cumsum(counts_blk, axis=1) - counts_blk
    counts_tot = jnp.sum(counts_blk, axis=0, dtype=jnp.int32)
    counts_flat = jnp.concatenate(
        [counts_blk.reshape(-1), counts_tot])

    grid_spec = pltpu.PrefetchScalarGridSpec(
        num_scalar_prefetch=3,
        grid=(grid,),
        in_specs=[
            pl.BlockSpec((bb, t, n), lambda i, *_: (i, 0, 0)),
        ],
        out_specs=[
            pl.BlockSpec((N_LAB, 8, 128), lambda i, *_: (0, 0, 0)),
            pl.BlockSpec((8, 128), lambda i, *_: (0, 0)),
        ],
        scratch_shapes=[
            pltpu.VMEM((N_LAB, 8, 128), jnp.float32),
            pltpu.VMEM((bb, 8, 128), jnp.float32),
        ],
    )

    rates3, assign2 = pl.pallas_call(
        functools.partial(_body, grid=grid, bb=bb),
        grid_spec=grid_spec,
        out_shape=[
            jax.ShapeDtypeStruct((N_LAB, 8, 128), jnp.float32),
            jax.ShapeDtypeStruct((8, 128), jnp.int32),
        ],
    )(order_local.reshape(-1), starts_blk.reshape(-1), counts_flat, spikes)

    rates = rates3.reshape(N_LAB, n).T
    assignments = assign2.reshape(n)
    return assignments, rates

# --- scband reference (transcript-rebuilt; emitter-appended) ---
"""Pipeline reference for scband-voting-56478819942640 (READ-ONLY COPY).

The authoritative reference and input builder live on the scoring server;
editing this copy changes nothing except your own understanding.
"""

import jax, jax.numpy as jnp
import numpy as np

N_LABELS = 10
ALPHA = 1.0

def setup_inputs(seed: int = 0) -> dict:
    key = jax.random.key(seed)
    k1, k2 = jax.random.split(key)
    spikes = jax.random.uniform(k1, (4096, 20, 1024), dtype=jnp.float32)
    labels = jax.random.randint(k2, (4096,), 0, N_LABELS, dtype=jnp.int32)
    return {"spikes": spikes, "labels": labels}

def reference(spikes, labels):
    # spikes: [B, T, N]; sum over time -> [B, N]
    s = spikes.sum(axis=1)
    # per-class sum over batch via segment reduction: [n_labels, N]
    per_label = jax.ops.segment_sum(s, labels, num_segments=N_LABELS)
    counts = jnp.bincount(labels, length=N_LABELS).astype(jnp.float32)
    # torch loop only writes columns with n_labeled > 0; others remain zero.
    # rates start at zeros, so alpha*rates[:, i] + tmp == tmp.
    mean_per_label = jnp.where(
        counts[:, None] > 0,
        per_label / jnp.maximum(counts[:, None], 1.0),
        0.0,
    )
    rates = ALPHA * jnp.zeros((spikes.shape[2], N_LABELS), dtype=jnp.float32) + mean_per_label.T
    assignments = jnp.argmax(rates, axis=1)
    return assignments, rates

if __name__ == "__main__":
    import jax
    _d = setup_inputs()
    print(jax.jit(kernel)(*tuple(_d.values())))

</pallas_src>

<mosaic_0001>
module attributes {stable_mosaic.version = 14 : i64} {
  func.func @_body(%arg0: i32, %arg1: memref<4096xi32, #tpu.memory_space<smem>>, %arg2: memref<320xi32, #tpu.memory_space<smem>>, %arg3: memref<330xi32, #tpu.memory_space<smem>>, %arg4: memref<128x20x1024xf32, #tpu.memory_space<vmem>>, %arg5: memref<10x8x128xf32, #tpu.memory_space<vmem>>, %arg6: memref<8x128xi32, #tpu.memory_space<vmem>>, %arg7: memref<10x8x128xf32, #tpu.memory_space<vmem>>, %arg8: memref<128x8x128xf32, #tpu.memory_space<vmem>>) attributes {dimension_semantics = [#tpu.dimension_semantics<arbitrary>], iteration_bounds = array<i64: 32>, scalar_prefetch = 3 : i64, scratch_operands = 2 : i64, tpu.core_type = #tpu.core_type<tc>, window_params = [{transform_indices = @transform_0, window_bounds = array<i64: 128, 20, 1024>}, {pipeline_mode = #tpu.pipeline_mode<synchronous>, transform_indices = @transform_1, window_bounds = array<i64: 10, 8, 128>}, {pipeline_mode = #tpu.pipeline_mode<synchronous>, transform_indices = @transform_2, window_bounds = array<i64: 8, 128>}]} {
    %eq3A = arith.constant 0 : i32
    %eq3A_0 = arith.cmpi eq, %arg0, %eq3A : i32
    %convert_element_type3A = arith.extui %eq3A_0 : i1 to i32
    %cond3A = arith.constant 0 : i32
    %cond3A_1 = arith.cmpi ne, %convert_element_type3A, %cond3A : i32
    scf.if %cond3A_1 {
      %broadcast_in_dim3A_405 = arith.constant 0.000000e+00 : f32
      %broadcast_in_dim3A_406 = vector.broadcast %broadcast_in_dim3A_405 : f32 to vector<10x8x128xf32>
      %swap3A_407 = arith.constant 0 : index
      %swap3A_408 = arith.constant 0 : index
      %swap3A_409 = arith.constant 0 : index
      %swap3A_410 = vector.load %arg7[%swap3A_407, %swap3A_408, %swap3A_409] : memref<10x8x128xf32, #tpu.memory_space<vmem>>, vector<10x8x128xf32>
      tpu.vector_store %arg7[%swap3A_407, %swap3A_408, %swap3A_409], %broadcast_in_dim3A_406 {strides = array<i32>} : memref<10x8x128xf32, #tpu.memory_space<vmem>>, vector<10x8x128xf32>,
    } else {
    }
    %get3A = arith.constant 0 : index
    %get3A_2 = arith.constant 0 : index
    %get3A_3 = arith.constant 0 : index
    %get3A_4 = vector.load %arg4[%get3A, %get3A_2, %get3A_3] : memref<128x20x1024xf32, #tpu.memory_space<vmem>>, vector<128x8x1024xf32>
    %get3A_5 = arith.constant 0 : index
    %get3A_6 = arith.constant 8 : index
    %get3A_7 = arith.constant 0 : index
    %get3A_8 = vector.load %arg4[%get3A_5, %get3A_6, %get3A_7] : memref<128x20x1024xf32, #tpu.memory_space<vmem>>, vector<128x8x1024xf32>
    %get3A_9 = arith.constant 0 : index
    %get3A_10 = arith.constant 16 : index
    %get3A_11 = arith.constant 0 : index
    %get3A_12 = vector.load %arg4[%get3A_9, %get3A_10, %get3A_11] : memref<128x20x1024xf32, #tpu.memory_space<vmem>>, vector<128x4x1024xf32>
    %broadcast_in_dim3A = arith.constant 0.000000e+00 : f32
    %broadcast_in_dim3A_13 = vector.broadcast %broadcast_in_dim3A : f32 to vector<128x4x1024xf32>
    %concatenate3A = tpu.concatenate %get3A_12, %broadcast_in_dim3A_13 in 1 : vector<128x4x1024xf32>, vector<128x4x1024xf32> -> vector<128x8x1024xf32>
    %slice3A = vector.extract_strided_slice %get3A_4 {offsets = [0, 1, 0], sizes = [128, 7, 1024], strides = [1, 1, 1]} : vector<128x8x1024xf32> to vector<128x7x1024xf32>
    %slice3A_14 = vector.extract_strided_slice %get3A_4 {offsets = [0, 0, 0], sizes = [128, 1, 1024], strides = [1, 1, 1]} : vector<128x8x1024xf32> to vector<128x1x1024xf32>
    %concatenate3A_15 = tpu.concatenate %slice3A, %slice3A_14 in 1 : vector<128x7x1024xf32>, vector<128x1x1024xf32> -> vector<128x8x1024xf32>
    %add3A = arith.addf %get3A_4, %concatenate3A_15 : vector<128x8x1024xf32>
    %slice3A_16 = vector.extract_strided_slice %get3A_4 {offsets = [0, 2, 0], sizes = [128, 6, 1024], strides = [1, 1, 1]} : vector<128x8x1024xf32> to vector<128x6x1024xf32>
    %slice3A_17 = vector.extract_strided_slice %get3A_4 {offsets = [0, 0, 0], sizes = [128, 2, 1024], strides = [1, 1, 1]} : vector<128x8x1024xf32> to vector<128x2x1024xf32>
    %concatenate3A_18 = tpu.concatenate %slice3A_16, %slice3A_17 in 1 : vector<128x6x1024xf32>, vector<128x2x1024xf32> -> vector<128x8x1024xf32>
    %add3A_19 = arith.addf %add3A, %concatenate3A_18 : vector<128x8x1024xf32>
    %slice3A_20 = vector.extract_strided_slice %get3A_4 {offsets = [0, 3, 0], sizes = [128, 5, 1024], strides = [1, 1, 1]} : vector<128x8x1024xf32> to vector<128x5x1024xf32>
    %slice3A_21 = vector.extract_strided_slice %get3A_4 {offsets = [0, 0, 0], sizes = [128, 3, 1024], strides = [1, 1, 1]} : vector<128x8x1024xf32> to vector<128x3x1024xf32>
    %concatenate3A_22 = tpu.concatenate %slice3A_20, %slice3A_21 in 1 : vector<128x5x1024xf32>, vector<128x3x1024xf32> -> vector<128x8x1024xf32>
    %add3A_23 = arith.addf %add3A_19, %concatenate3A_22 : vector<128x8x1024xf32>
    %slice3A_24 = vector.extract_strided_slice %get3A_8 {offsets = [0, 1, 0], sizes = [128, 7, 1024], strides = [1, 1, 1]} : vector<128x8x1024xf32> to vector<128x7x1024xf32>
    %slice3A_25 = vector.extract_strided_slice %get3A_8 {offsets = [0, 0, 0], sizes = [128, 1, 1024], strides = [1, 1, 1]} : vector<128x8x1024xf32> to vector<128x1x1024xf32>
    %concatenate3A_26 = tpu.concatenate %slice3A_24, %slice3A_25 in 1 : vector<128x7x1024xf32>, vector<128x1x1024xf32> -> vector<128x8x1024xf32>
    %add3A_27 = arith.addf %get3A_8, %concatenate3A_26 : vector<128x8x1024xf32>
    %slice3A_28 = vector.extract_strided_slice %get3A_8 {offsets = [0, 2, 0], sizes = [128, 6, 1024], strides = [1, 1, 1]} : vector<128x8x1024xf32> to vector<128x6x1024xf32>
    %slice3A_29 = vector.extract_strided_slice %get3A_8 {offsets = [0, 0, 0], sizes = [128, 2, 1024], strides = [1, 1, 1]} : vector<128x8x1024xf32> to vector<128x2x1024xf32>
    %concatenate3A_30 = tpu.concatenate %slice3A_28, %slice3A_29 in 1 : vector<128x6x1024xf32>, vector<128x2x1024xf32> -> vector<128x8x1024xf32>
    %add3A_31 = arith.addf %add3A_27, %concatenate3A_30 : vector<128x8x1024xf32>
    %slice3A_32 = vector.extract_strided_slice %get3A_8 {offsets = [0, 3, 0], sizes = [128, 5, 1024], strides = [1, 1, 1]} : vector<128x8x1024xf32> to vector<128x5x1024xf32>
    %slice3A_33 = vector.extract_strided_slice %get3A_8 {offsets = [0, 0, 0], sizes = [128, 3, 1024], strides = [1, 1, 1]} : vector<128x8x1024xf32> to vector<128x3x1024xf32>
    %concatenate3A_34 = tpu.concatenate %slice3A_32, %slice3A_33 in 1 : vector<128x5x1024xf32>, vector<128x3x1024xf32> -> vector<128x8x1024xf32>
    %add3A_35 = arith.addf %add3A_31, %concatenate3A_34 : vector<128x8x1024xf32>
    %slice3A_36 = vector.extract_strided_slice %concatenate3A {offsets = [0, 1, 0], sizes = [128, 7, 1024], strides = [1, 1, 1]} : vector<128x8x1024xf32> to vector<128x7x1024xf32>
    %slice3A_37 = vector.extract_strided_slice %concatenate3A {offsets = [0, 0, 0], sizes = [128, 1, 1024], strides = [1, 1, 1]} : vector<128x8x1024xf32> to vector<128x1x1024xf32>
    %concatenate3A_38 = tpu.concatenate %slice3A_36, %slice3A_37 in 1 : vector<128x7x1024xf32>, vector<128x1x1024xf32> -> vector<128x8x1024xf32>
    %add3A_39 = arith.addf %concatenate3A, %concatenate3A_38 : vector<128x8x1024xf32>
    %slice3A_40 = vector.extract_strided_slice %concatenate3A {offsets = [0, 2, 0], sizes = [128, 6, 1024], strides = [1, 1, 1]} : vector<128x8x1024xf32> to vector<128x6x1024xf32>
    %slice3A_41 = vector.extract_strided_slice %concatenate3A {offsets = [0, 0, 0], sizes = [128, 2, 1024], strides = [1, 1, 1]} : vector<128x8x1024xf32> to vector<128x2x1024xf32>
    %concatenate3A_42 = tpu.concatenate %slice3A_40, %slice3A_41 in 1 : vector<128x6x1024xf32>, vector<128x2x1024xf32> -> vector<128x8x1024xf32>
    %add3A_43 = arith.addf %add3A_39, %concatenate3A_42 : vector<128x8x1024xf32>
    %slice3A_44 = vector.extract_strided_slice %concatenate3A {offsets = [0, 3, 0], sizes = [128, 5, 1024], strides = [1, 1, 1]} : vector<128x8x1024xf32> to vector<128x5x1024xf32>
    %slice3A_45 = vector.extract_strided_slice %concatenate3A {offsets = [0, 0, 0], sizes = [128, 3, 1024], strides = [1, 1, 1]} : vector<128x8x1024xf32> to vector<128x3x1024xf32>
    %concatenate3A_46 = tpu.concatenate %slice3A_44, %slice3A_45 in 1 : vector<128x5x1024xf32>, vector<128x3x1024xf32> -> vector<128x8x1024xf32>
    %add3A_47 = arith.addf %add3A_43, %concatenate3A_46 : vector<128x8x1024xf32>
    %slice3A_48 = vector.extract_strided_slice %add3A_23 {offsets = [0, 4, 0], sizes = [128, 4, 1024], strides = [1, 1, 1]} : vector<128x8x1024xf32> to vector<128x4x1024xf32>
    %slice3A_49 = vector.extract_strided_slice %add3A_23 {offsets = [0, 0, 0], sizes = [128, 4, 1024], strides = [1, 1, 1]} : vector<128x8x1024xf32> to vector<128x4x1024xf32>
    %concatenate3A_50 = tpu.concatenate %slice3A_48, %slice3A_49 in 1 : vector<128x4x1024xf32>, vector<128x4x1024xf32> -> vector<128x8x1024xf32>
    %add3A_51 = arith.addf %add3A_23, %concatenate3A_50 : vector<128x8x1024xf32>
    %add3A_52 = arith.addf %add3A_51, %add3A_35 : vector<128x8x1024xf32>
    %slice3A_53 = vector.extract_strided_slice %add3A_35 {offsets = [0, 4, 0], sizes = [128, 4, 1024], strides = [1, 1, 1]} : vector<128x8x1024xf32> to vector<128x4x1024xf32>
    %slice3A_54 = vector.extract_strided_slice %add3A_35 {offsets = [0, 0, 0], sizes = [128, 4, 1024], strides = [1, 1, 1]} : vector<128x8x1024xf32> to vector<128x4x1024xf32>
    %concatenate3A_55 = tpu.concatenate %slice3A_53, %slice3A_54 in 1 : vector<128x4x1024xf32>, vector<128x4x1024xf32> -> vector<128x8x1024xf32>
    %add3A_56 = arith.addf %add3A_52, %concatenate3A_55 : vector<128x8x1024xf32>
    %add3A_57 = arith.addf %add3A_56, %add3A_47 : vector<128x8x1024xf32>
    %slice3A_58 = vector.extract_strided_slice %add3A_57 {offsets = [0, 0, 0], sizes = [128, 1, 1024], strides = [1, 1, 1]} : vector<128x8x1024xf32> to vector<128x1x1024xf32>
    %reshape3A = vector.shape_cast %slice3A_58 : vector<128x1x1024xf32> to vector<128x8x128xf32>
    %swap3A = arith.constant 0 : index
    %swap3A_59 = arith.constant 0 : index
    %swap3A_60 = arith.constant 0 : index
    %swap3A_61 = vector.load %arg8[%swap3A, %swap3A_59, %swap3A_60] : memref<128x8x128xf32, #tpu.memory_space<vmem>>, vector<128x8x128xf32>
    tpu.vector_store %arg8[%swap3A, %swap3A_59, %swap3A_60], %reshape3A {strides = array<i32>} : memref<128x8x128xf32, #tpu.memory_space<vmem>>, vector<128x8x128xf32>,
    %mul3A = arith.constant 10 : i32
    %mul3A_62 = arith.muli %arg0, %mul3A : i32
    %add3A_63 = arith.constant 0 : i32
    %add3A_64 = arith.addi %mul3A_62, %add3A_63 : i32
    %get3A_65 = arith.index_cast %add3A_64 : i32 to index
    %get3A_66 = memref.load %arg2[%get3A_65] : memref<320xi32, #tpu.memory_space<smem>>
    %mul3A_67 = arith.constant 10 : i32
    %mul3A_68 = arith.muli %arg0, %mul3A_67 : i32
    %add3A_69 = arith.constant 0 : i32
    %add3A_70 = arith.addi %mul3A_68, %add3A_69 : i32
    %get3A_71 = arith.index_cast %add3A_70 : i32 to index
    %get3A_72 = memref.load %arg3[%get3A_71] : memref<330xi32, #tpu.memory_space<smem>>
    %add3A_73 = arith.addi %get3A_66, %get3A_72 : i32
    %get3A_74 = arith.constant 0 : index
    %get3A_75 = arith.constant 0 : index
    %get3A_76 = arith.constant 0 : index
    %get3A_77 = vector.load %arg7[%get3A_74, %get3A_75, %get3A_76] : memref<10x8x128xf32, #tpu.memory_space<vmem>>, vector<1x8x128xf32>
    %get3A_78 = vector.shape_cast %get3A_77 : vector<1x8x128xf32> to vector<8x128xf32>
    %while3A = arith.subi %add3A_73, %get3A_66 : i32
    %while3A_79 = arith.addi %get3A_66, %while3A : i32
    %while3A_80 = arith.constant 1 : i32
    %while3A_81 = arith.divsi %while3A, %while3A_80 : i32
    %while3A_82 = arith.muli %while3A_81, %while3A_80 : i32
    %while3A_83 = arith.addi %get3A_66, %while3A_82 : i32
    %while3A_84 = arith.constant 1 : i32
    %while3A_85 = scf.for %while3A_405 = %get3A_66 to %while3A_83 step %while3A_84 iter_args(%while3A_406 = %get3A_78) -> (vector<8x128xf32>)  : i32 {
      %mul3A_407 = arith.constant 128 : i32
      %mul3A_408 = arith.muli %arg0, %mul3A_407 : i32
      %add3A_409 = arith.addi %mul3A_408, %while3A_405 : i32
      %get3A_410 = arith.index_cast %add3A_409 : i32 to index
      %get3A_411 = memref.load %arg1[%get3A_410] : memref<4096xi32, #tpu.memory_space<smem>>
      %get3A_412 = arith.index_cast %get3A_411 : i32 to index
      %get3A_413 = arith.constant 0 : index
      %get3A_414 = arith.constant 0 : index
      %get3A_415 = vector.load %arg8[%get3A_412, %get3A_413, %get3A_414] : memref<128x8x128xf32, #tpu.memory_space<vmem>>, vector<1x8x128xf32>
      %get3A_416 = vector.shape_cast %get3A_415 : vector<1x8x128xf32> to vector<8x128xf32>
      %add3A_417 = arith.addf %while3A_406, %get3A_416 : vector<8x128xf32>
      scf.yield %add3A_417 : vector<8x128xf32>
    }
    %while3A_86 = arith.constant 1 : i32
    %while3A_87 = scf.for %while3A_405 = %while3A_83 to %while3A_79 step %while3A_86 iter_args(%while3A_406 = %while3A_85) -> (vector<8x128xf32>)  : i32 {
      %mul3A_407 = arith.constant 128 : i32
      %mul3A_408 = arith.muli %arg0, %mul3A_407 : i32
      %add3A_409 = arith.addi %mul3A_408, %while3A_405 : i32
      %get3A_410 = arith.index_cast %add3A_409 : i32 to index
      %get3A_411 = memref.load %arg1[%get3A_410] : memref<4096xi32, #tpu.memory_space<smem>>
      %get3A_412 = arith.index_cast %get3A_411 : i32 to index
      %get3A_413 = arith.constant 0 : index
      %get3A_414 = arith.constant 0 : index
      %get3A_415 = vector.load %arg8[%get3A_412, %get3A_413, %get3A_414] : memref<128x8x128xf32, #tpu.memory_space<vmem>>, vector<1x8x128xf32>
      %get3A_416 = vector.shape_cast %get3A_415 : vector<1x8x128xf32> to vector<8x128xf32>
      %add3A_417 = arith.addf %while3A_406, %get3A_416 : vector<8x128xf32>
      scf.yield %add3A_417 : vector<8x128xf32>
    }
    %swap3A_88 = arith.constant 0 : index
    %swap3A_89 = arith.constant 0 : index
    %swap3A_90 = arith.constant 0 : index
    %swap3A_91 = vector.load %arg7[%swap3A_88, %swap3A_89, %swap3A_90] : memref<10x8x128xf32, #tpu.memory_space<vmem>>, vector<1x8x128xf32>
    %swap3A_92 = vector.shape_cast %swap3A_91 : vector<1x8x128xf32> to vector<8x128xf32>
    %swap3A_93 = vector.shape_cast %while3A_87 : vector<8x128xf32> to vector<1x8x128xf32>
    tpu.vector_store %arg7[%swap3A_88, %swap3A_89, %swap3A_90], %swap3A_93 {strides = array<i32>} : memref<10x8x128xf32, #tpu.memory_space<vmem>>, vector<1x8x128xf32>,
    %mul3A_94 = arith.constant 10 : i32
    %mul3A_95 = arith.muli %arg0, %mul3A_94 : i32
    %add3A_96 = arith.constant 1 : i32
    %add3A_97 = arith.addi %mul3A_95, %add3A_96 : i32
    %get3A_98 = arith.index_cast %add3A_97 : i32 to index
    %get3A_99 = memref.load %arg2[%get3A_98] : memref<320xi32, #tpu.memory_space<smem>>
    %mul3A_100 = arith.constant 10 : i32
    %mul3A_101 = arith.muli %arg0, %mul3A_100 : i32
    %add3A_102 = arith.constant 1 : i32
    %add3A_103 = arith.addi %mul3A_101, %add3A_102 : i32
    %get3A_104 = arith.index_cast %add3A_103 : i32 to index
    %get3A_105 = memref.load %arg3[%get3A_104] : memref<330xi32, #tpu.memory_space<smem>>
    %add3A_106 = arith.addi %get3A_99, %get3A_105 : i32
    %get3A_107 = arith.constant 1 : index
    %get3A_108 = arith.constant 0 : index
    %get3A_109 = arith.constant 0 : index
    %get3A_110 = vector.load %arg7[%get3A_107, %get3A_108, %get3A_109] : memref<10x8x128xf32, #tpu.memory_space<vmem>>, vector<1x8x128xf32>
    %get3A_111 = vector.shape_cast %get3A_110 : vector<1x8x128xf32> to vector<8x128xf32>
    %while3A_112 = arith.subi %add3A_106, %get3A_99 : i32
    %while3A_113 = arith.addi %get3A_99, %while3A_112 : i32
    %while3A_114 = arith.constant 1 : i32
    %while3A_115 = arith.divsi %while3A_112, %while3A_114 : i32
    %while3A_116 = arith.muli %while3A_115, %while3A_114 : i32
    %while3A_117 = arith.addi %get3A_99, %while3A_116 : i32
    %while3A_118 = arith.constant 1 : i32
    %while3A_119 = scf.for %while3A_405 = %get3A_99 to %while3A_117 step %while3A_118 iter_args(%while3A_406 = %get3A_111) -> (vector<8x128xf32>)  : i32 {
      %mul3A_407 = arith.constant 128 : i32
      %mul3A_408 = arith.muli %arg0, %mul3A_407 : i32
      %add3A_409 = arith.addi %mul3A_408, %while3A_405 : i32
      %get3A_410 = arith.index_cast %add3A_409 : i32 to index
      %get3A_411 = memref.load %arg1[%get3A_410] : memref<4096xi32, #tpu.memory_space<smem>>
      %get3A_412 = arith.index_cast %get3A_411 : i32 to index
      %get3A_413 = arith.constant 0 : index
      %get3A_414 = arith.constant 0 : index
      %get3A_415 = vector.load %arg8[%get3A_412, %get3A_413, %get3A_414] : memref<128x8x128xf32, #tpu.memory_space<vmem>>, vector<1x8x128xf32>
      %get3A_416 = vector.shape_cast %get3A_415 : vector<1x8x128xf32> to vector<8x128xf32>
      %add3A_417 = arith.addf %while3A_406, %get3A_416 : vector<8x128xf32>
      scf.yield %add3A_417 : vector<8x128xf32>
    }
    %while3A_120 = arith.constant 1 : i32
    %while3A_121 = scf.for %while3A_405 = %while3A_117 to %while3A_113 step %while3A_120 iter_args(%while3A_406 = %while3A_119) -> (vector<8x128xf32>)  : i32 {
      %mul3A_407 = arith.constant 128 : i32
      %mul3A_408 = arith.muli %arg0, %mul3A_407 : i32
      %add3A_409 = arith.addi %mul3A_408, %while3A_405 : i32
      %get3A_410 = arith.index_cast %add3A_409 : i32 to index
      %get3A_411 = memref.load %arg1[%get3A_410] : memref<4096xi32, #tpu.memory_space<smem>>
      %get3A_412 = arith.index_cast %get3A_411 : i32 to index
      %get3A_413 = arith.constant 0 : index
      %get3A_414 = arith.constant 0 : index
      %get3A_415 = vector.load %arg8[%get3A_412, %get3A_413, %get3A_414] : memref<128x8x128xf32, #tpu.memory_space<vmem>>, vector<1x8x128xf32>
      %get3A_416 = vector.shape_cast %get3A_415 : vector<1x8x128xf32> to vector<8x128xf32>
      %add3A_417 = arith.addf %while3A_406, %get3A_416 : vector<8x128xf32>
      scf.yield %add3A_417 : vector<8x128xf32>
    }
    %swap3A_122 = arith.constant 1 : index
    %swap3A_123 = arith.constant 0 : index
    %swap3A_124 = arith.constant 0 : index
    %swap3A_125 = vector.load %arg7[%swap3A_122, %swap3A_123, %swap3A_124] : memref<10x8x128xf32, #tpu.memory_space<vmem>>, vector<1x8x128xf32>
    %swap3A_126 = vector.shape_cast %swap3A_125 : vector<1x8x128xf32> to vector<8x128xf32>
    %swap3A_127 = vector.shape_cast %while3A_121 : vector<8x128xf32> to vector<1x8x128xf32>
    tpu.vector_store %arg7[%swap3A_122, %swap3A_123, %swap3A_124], %swap3A_127 {strides = array<i32>} : memref<10x8x128xf32, #tpu.memory_space<vmem>>, vector<1x8x128xf32>,
    %mul3A_128 = arith.constant 10 : i32
    %mul3A_129 = arith.muli %arg0, %mul3A_128 : i32
    %add3A_130 = arith.constant 2 : i32
    %add3A_131 = arith.addi %mul3A_129, %add3A_130 : i32
    %get3A_132 = arith.index_cast %add3A_131 : i32 to index
    %get3A_133 = memref.load %arg2[%get3A_132] : memref<320xi32, #tpu.memory_space<smem>>
    %mul3A_134 = arith.constant 10 : i32
    %mul3A_135 = arith.muli %arg0, %mul3A_134 : i32
    %add3A_136 = arith.constant 2 : i32
    %add3A_137 = arith.addi %mul3A_135, %add3A_136 : i32
    %get3A_138 = arith.index_cast %add3A_137 : i32 to index
    %get3A_139 = memref.load %arg3[%get3A_138] : memref<330xi32, #tpu.memory_space<smem>>
    %add3A_140 = arith.addi %get3A_133, %get3A_139 : i32
    %get3A_141 = arith.constant 2 : index
    %get3A_142 = arith.constant 0 : index
    %get3A_143 = arith.constant 0 : index
    %get3A_144 = vector.load %arg7[%get3A_141, %get3A_142, %get3A_143] : memref<10x8x128xf32, #tpu.memory_space<vmem>>, vector<1x8x128xf32>
    %get3A_145 = vector.shape_cast %get3A_144 : vector<1x8x128xf32> to vector<8x128xf32>
    %while3A_146 = arith.subi %add3A_140, %get3A_133 : i32
    %while3A_147 = arith.addi %get3A_133, %while3A_146 : i32
    %while3A_148 = arith.constant 1 : i32
    %while3A_149 = arith.divsi %while3A_146, %while3A_148 : i32
    %while3A_150 = arith.muli %while3A_149, %while3A_148 : i32
    %while3A_151 = arith.addi %get3A_133, %while3A_150 : i32
    %while3A_152 = arith.constant 1 : i32
    %while3A_153 = scf.for %while3A_405 = %get3A_133 to %while3A_151 step %while3A_152 iter_args(%while3A_406 = %get3A_145) -> (vector<8x128xf32>)  : i32 {
      %mul3A_407 = arith.constant 128 : i32
      %mul3A_408 = arith.muli %arg0, %mul3A_407 : i32
      %add3A_409 = arith.addi %mul3A_408, %while3A_405 : i32
      %get3A_410 = arith.index_cast %add3A_409 : i32 to index
      %get3A_411 = memref.load %arg1[%get3A_410] : memref<4096xi32, #tpu.memory_space<smem>>
      %get3A_412 = arith.index_cast %get3A_411 : i32 to index
      %get3A_413 = arith.constant 0 : index
      %get3A_414 = arith.constant 0 : index
      %get3A_415 = vector.load %arg8[%get3A_412, %get3A_413, %get3A_414] : memref<128x8x128xf32, #tpu.memory_space<vmem>>, vector<1x8x128xf32>
      %get3A_416 = vector.shape_cast %get3A_415 : vector<1x8x128xf32> to vector<8x128xf32>
      %add3A_417 = arith.addf %while3A_406, %get3A_416 : vector<8x128xf32>
      scf.yield %add3A_417 : vector<8x128xf32>
    }
    %while3A_154 = arith.constant 1 : i32
    %while3A_155 = scf.for %while3A_405 = %while3A_151 to %while3A_147 step %while3A_154 iter_args(%while3A_406 = %while3A_153) -> (vector<8x128xf32>)  : i32 {
      %mul3A_407 = arith.constant 128 : i32
      %mul3A_408 = arith.muli %arg0, %mul3A_407 : i32
      %add3A_409 = arith.addi %mul3A_408, %while3A_405 : i32
      %get3A_410 = arith.index_cast %add3A_409 : i32 to index
      %get3A_411 = memref.load %arg1[%get3A_410] : memref<4096xi32, #tpu.memory_space<smem>>
      %get3A_412 = arith.index_cast %get3A_411 : i32 to index
      %get3A_413 = arith.constant 0 : index
      %get3A_414 = arith.constant 0 : index
      %get3A_415 = vector.load %arg8[%get3A_412, %get3A_413, %get3A_414] : memref<128x8x128xf32, #tpu.memory_space<vmem>>, vector<1x8x128xf32>
      %get3A_416 = vector.shape_cast %get3A_415 : vector<1x8x128xf32> to vector<8x128xf32>
      %add3A_417 = arith.addf %while3A_406, %get3A_416 : vector<8x128xf32>
      scf.yield %add3A_417 : vector<8x128xf32>
    }
    %swap3A_156 = arith.constant 2 : index
    %swap3A_157 = arith.constant 0 : index
    %swap3A_158 = arith.constant 0 : index
    %swap3A_159 = vector.load %arg7[%swap3A_156, %swap3A_157, %swap3A_158] : memref<10x8x128xf32, #tpu.memory_space<vmem>>, vector<1x8x128xf32>
    %swap3A_160 = vector.shape_cast %swap3A_159 : vector<1x8x128xf32> to vector<8x128xf32>
    %swap3A_161 = vector.shape_cast %while3A_155 : vector<8x128xf32> to vector<1x8x128xf32>
    tpu.vector_store %arg7[%swap3A_156, %swap3A_157, %swap3A_158], %swap3A_161 {strides = array<i32>} : memref<10x8x128xf32, #tpu.memory_space<vmem>>, vector<1x8x128xf32>,
    %mul3A_162 = arith.constant 10 : i32
    %mul3A_163 = arith.muli %arg0, %mul3A_162 : i32
    %add3A_164 = arith.constant 3 : i32
    %add3A_165 = arith.addi %mul3A_163, %add3A_164 : i32
    %get3A_166 = arith.index_cast %add3A_165 : i32 to index
    %get3A_167 = memref.load %arg2[%get3A_166] : memref<320xi32, #tpu.memory_space<smem>>
    %mul3A_168 = arith.constant 10 : i32
    %mul3A_169 = arith.muli %arg0, %mul3A_168 : i32
    %add3A_170 = arith.constant 3 : i32
    %add3A_171 = arith.addi %mul3A_169, %add3A_170 : i32
    %get3A_172 = arith.index_cast %add3A_171 : i32 to index
    %get3A_173 = memref.load %arg3[%get3A_172] : memref<330xi32, #tpu.memory_space<smem>>
    %add3A_174 = arith.addi %get3A_167, %get3A_173 : i32
    %get3A_175 = arith.constant 3 : index
    %get3A_176 = arith.constant 0 : index
    %get3A_177 = arith.constant 0 : index
    %get3A_178 = vector.load %arg7[%get3A_175, %get3A_176, %get3A_177] : memref<10x8x128xf32, #tpu.memory_space<vmem>>, vector<1x8x128xf32>
    %get3A_179 = vector.shape_cast %get3A_178 : vector<1x8x128xf32> to vector<8x128xf32>
    %while3A_180 = arith.subi %add3A_174, %get3A_167 : i32
    %while3A_181 = arith.addi %get3A_167, %while3A_180 : i32
    %while3A_182 = arith.constant 1 : i32
    %while3A_183 = arith.divsi %while3A_180, %while3A_182 : i32
    %while3A_184 = arith.muli %while3A_183, %while3A_182 : i32
    %while3A_185 = arith.addi %get3A_167, %while3A_184 : i32
    %while3A_186 = arith.constant 1 : i32
    %while3A_187 = scf.for %while3A_405 = %get3A_167 to %while3A_185 step %while3A_186 iter_args(%while3A_406 = %get3A_179) -> (vector<8x128xf32>)  : i32 {
      %mul3A_407 = arith.constant 128 : i32
      %mul3A_408 = arith.muli %arg0, %mul3A_407 : i32
      %add3A_409 = arith.addi %mul3A_408, %while3A_405 : i32
      %get3A_410 = arith.index_cast %add3A_409 : i32 to index
      %get3A_411 = memref.load %arg1[%get3A_410] : memref<4096xi32, #tpu.memory_space<smem>>
      %get3A_412 = arith.index_cast %get3A_411 : i32 to index
      %get3A_413 = arith.constant 0 : index
      %get3A_414 = arith.constant 0 : index
      %get3A_415 = vector.load %arg8[%get3A_412, %get3A_413, %get3A_414] : memref<128x8x128xf32, #tpu.memory_space<vmem>>, vector<1x8x128xf32>
      %get3A_416 = vector.shape_cast %get3A_415 : vector<1x8x128xf32> to vector<8x128xf32>
      %add3A_417 = arith.addf %while3A_406, %get3A_416 : vector<8x128xf32>
      scf.yield %add3A_417 : vector<8x128xf32>
    }
    %while3A_188 = arith.constant 1 : i32
    %while3A_189 = scf.for %while3A_405 = %while3A_185 to %while3A_181 step %while3A_188 iter_args(%while3A_406 = %while3A_187) -> (vector<8x128xf32>)  : i32 {
      %mul3A_407 = arith.constant 128 : i32
      %mul3A_408 = arith.muli %arg0, %mul3A_407 : i32
      %add3A_409 = arith.addi %mul3A_408, %while3A_405 : i32
      %get3A_410 = arith.index_cast %add3A_409 : i32 to index
      %get3A_411 = memref.load %arg1[%get3A_410] : memref<4096xi32, #tpu.memory_space<smem>>
      %get3A_412 = arith.index_cast %get3A_411 : i32 to index
      %get3A_413 = arith.constant 0 : index
      %get3A_414 = arith.constant 0 : index
      %get3A_415 = vector.load %arg8[%get3A_412, %get3A_413, %get3A_414] : memref<128x8x128xf32, #tpu.memory_space<vmem>>, vector<1x8x128xf32>
      %get3A_416 = vector.shape_cast %get3A_415 : vector<1x8x128xf32> to vector<8x128xf32>
      %add3A_417 = arith.addf %while3A_406, %get3A_416 : vector<8x128xf32>
      scf.yield %add3A_417 : vector<8x128xf32>
    }
    %swap3A_190 = arith.constant 3 : index
    %swap3A_191 = arith.constant 0 : index
    %swap3A_192 = arith.constant 0 : index
    %swap3A_193 = vector.load %arg7[%swap3A_190, %swap3A_191, %swap3A_192] : memref<10x8x128xf32, #tpu.memory_space<vmem>>, vector<1x8x128xf32>
    %swap3A_194 = vector.shape_cast %swap3A_193 : vector<1x8x128xf32> to vector<8x128xf32>
    %swap3A_195 = vector.shape_cast %while3A_189 : vector<8x128xf32> to vector<1x8x128xf32>
    tpu.vector_store %arg7[%swap3A_190, %swap3A_191, %swap3A_192], %swap3A_195 {strides = array<i32>} : memref<10x8x128xf32, #tpu.memory_space<vmem>>, vector<1x8x128xf32>,
    %mul3A_196 = arith.constant 10 : i32
    %mul3A_197 = arith.muli %arg0, %mul3A_196 : i32
    %add3A_198 = arith.constant 4 : i32
    %add3A_199 = arith.addi %mul3A_197, %add3A_198 : i32
    %get3A_200 = arith.index_cast %add3A_199 : i32 to index
    %get3A_201 = memref.load %arg2[%get3A_200] : memref<320xi32, #tpu.memory_space<smem>>
    %mul3A_202 = arith.constant 10 : i32
    %mul3A_203 = arith.muli %arg0, %mul3A_202 : i32
    %add3A_204 = arith.constant 4 : i32
    %add3A_205 = arith.addi %mul3A_203, %add3A_204 : i32
    %get3A_206 = arith.index_cast %add3A_205 : i32 to index
    %get3A_207 = memref.load %arg3[%get3A_206] : memref<330xi32, #tpu.memory_space<smem>>
    %add3A_208 = arith.addi %get3A_201, %get3A_207 : i32
    %get3A_209 = arith.constant 4 : index
    %get3A_210 = arith.constant 0 : index
    %get3A_211 = arith.constant 0 : index
    %get3A_212 = vector.load %arg7[%get3A_209, %get3A_210, %get3A_211] : memref<10x8x128xf32, #tpu.memory_space<vmem>>, vector<1x8x128xf32>
    %get3A_213 = vector.shape_cast %get3A_212 : vector<1x8x128xf32> to vector<8x128xf32>
    %while3A_214 = arith.subi %add3A_208, %get3A_201 : i32
    %while3A_215 = arith.addi %get3A_201, %while3A_214 : i32
    %while3A_216 = arith.constant 1 : i32
    %while3A_217 = arith.divsi %while3A_214, %while3A_216 : i32
    %while3A_218 = arith.muli %while3A_217, %while3A_216 : i32
    %while3A_219 = arith.addi %get3A_201, %while3A_218 : i32
    %while3A_220 = arith.constant 1 : i32
    %while3A_221 = scf.for %while3A_405 = %get3A_201 to %while3A_219 step %while3A_220 iter_args(%while3A_406 = %get3A_213) -> (vector<8x128xf32>)  : i32 {
      %mul3A_407 = arith.constant 128 : i32
      %mul3A_408 = arith.muli %arg0, %mul3A_407 : i32
      %add3A_409 = arith.addi %mul3A_408, %while3A_405 : i32
      %get3A_410 = arith.index_cast %add3A_409 : i32 to index
      %get3A_411 = memref.load %arg1[%get3A_410] : memref<4096xi32, #tpu.memory_space<smem>>
      %get3A_412 = arith.index_cast %get3A_411 : i32 to index
      %get3A_413 = arith.constant 0 : index
      %get3A_414 = arith.constant 0 : index
      %get3A_415 = vector.load %arg8[%get3A_412, %get3A_413, %get3A_414] : memref<128x8x128xf32, #tpu.memory_space<vmem>>, vector<1x8x128xf32>
      %get3A_416 = vector.shape_cast %get3A_415 : vector<1x8x128xf32> to vector<8x128xf32>
      %add3A_417 = arith.addf %while3A_406, %get3A_416 : vector<8x128xf32>
      scf.yield %add3A_417 : vector<8x128xf32>
    }
    %while3A_222 = arith.constant 1 : i32
    %while3A_223 = scf.for %while3A_405 = %while3A_219 to %while3A_215 step %while3A_222 iter_args(%while3A_406 = %while3A_221) -> (vector<8x128xf32>)  : i32 {
      %mul3A_407 = arith.constant 128 : i32
      %mul3A_408 = arith.muli %arg0, %mul3A_407 : i32
      %add3A_409 = arith.addi %mul3A_408, %while3A_405 : i32
      %get3A_410 = arith.index_cast %add3A_409 : i32 to index
      %get3A_411 = memref.load %arg1[%get3A_410] : memref<4096xi32, #tpu.memory_space<smem>>
      %get3A_412 = arith.index_cast %get3A_411 : i32 to index
      %get3A_413 = arith.constant 0 : index
      %get3A_414 = arith.constant 0 : index
      %get3A_415 = vector.load %arg8[%get3A_412, %get3A_413, %get3A_414] : memref<128x8x128xf32, #tpu.memory_space<vmem>>, vector<1x8x128xf32>
      %get3A_416 = vector.shape_cast %get3A_415 : vector<1x8x128xf32> to vector<8x128xf32>
      %add3A_417 = arith.addf %while3A_406, %get3A_416 : vector<8x128xf32>
      scf.yield %add3A_417 : vector<8x128xf32>
    }
    %swap3A_224 = arith.constant 4 : index
    %swap3A_225 = arith.constant 0 : index
    %swap3A_226 = arith.constant 0 : index
    %swap3A_227 = vector.load %arg7[%swap3A_224, %swap3A_225, %swap3A_226] : memref<10x8x128xf32, #tpu.memory_space<vmem>>, vector<1x8x128xf32>
    %swap3A_228 = vector.shape_cast %swap3A_227 : vector<1x8x128xf32> to vector<8x128xf32>
    %swap3A_229 = vector.shape_cast %while3A_223 : vector<8x128xf32> to vector<1x8x128xf32>
    tpu.vector_store %arg7[%swap3A_224, %swap3A_225, %swap3A_226], %swap3A_229 {strides = array<i32>} : memref<10x8x128xf32, #tpu.memory_space<vmem>>, vector<1x8x128xf32>,
    %mul3A_230 = arith.constant 10 : i32
    %mul3A_231 = arith.muli %arg0, %mul3A_230 : i32
    %add3A_232 = arith.constant 5 : i32
    %add3A_233 = arith.addi %mul3A_231, %add3A_232 : i32
    %get3A_234 = arith.index_cast %add3A_233 : i32 to index
    %get3A_235 = memref.load %arg2[%get3A_234] : memref<320xi32, #tpu.memory_space<smem>>
    %mul3A_236 = arith.constant 10 : i32
    %mul3A_237 = arith.muli %arg0, %mul3A_236 : i32
    %add3A_238 = arith.constant 5 : i32
    %add3A_239 = arith.addi %mul3A_237, %add3A_238 : i32
    %get3A_240 = arith.index_cast %add3A_239 : i32 to index
    %get3A_241 = memref.load %arg3[%get3A_240] : memref<330xi32, #tpu.memory_space<smem>>
    %add3A_242 = arith.addi %get3A_235, %get3A_241 : i32
    %get3A_243 = arith.constant 5 : index
    %get3A_244 = arith.constant 0 : index
    %get3A_245 = arith.constant 0 : index
    %get3A_246 = vector.load %arg7[%get3A_243, %get3A_244, %get3A_245] : memref<10x8x128xf32, #tpu.memory_space<vmem>>, vector<1x8x128xf32>
    %get3A_247 = vector.shape_cast %get3A_246 : vector<1x8x128xf32> to vector<8x128xf32>
    %while3A_248 = arith.subi %add3A_242, %get3A_235 : i32
    %while3A_249 = arith.addi %get3A_235, %while3A_248 : i32
    %while3A_250 = arith.constant 1 : i32
    %while3A_251 = arith.divsi %while3A_248, %while3A_250 : i32
    %while3A_252 = arith.muli %while3A_251, %while3A_250 : i32
    %while3A_253 = arith.addi %get3A_235, %while3A_252 : i32
    %while3A_254 = arith.constant 1 : i32
    %while3A_255 = scf.for %while3A_405 = %get3A_235 to %while3A_253 step %while3A_254 iter_args(%while3A_406 = %get3A_247) -> (vector<8x128xf32>)  : i32 {
      %mul3A_407 = arith.constant 128 : i32
      %mul3A_408 = arith.muli %arg0, %mul3A_407 : i32
      %add3A_409 = arith.addi %mul3A_408, %while3A_405 : i32
      %get3A_410 = arith.index_cast %add3A_409 : i32 to index
      %get3A_411 = memref.load %arg1[%get3A_410] : memref<4096xi32, #tpu.memory_space<smem>>
      %get3A_412 = arith.index_cast %get3A_411 : i32 to index
      %get3A_413 = arith.constant 0 : index
      %get3A_414 = arith.constant 0 : index
      %get3A_415 = vector.load %arg8[%get3A_412, %get3A_413, %get3A_414] : memref<128x8x128xf32, #tpu.memory_space<vmem>>, vector<1x8x128xf32>
      %get3A_416 = vector.shape_cast %get3A_415 : vector<1x8x128xf32> to vector<8x128xf32>
      %add3A_417 = arith.addf %while3A_406, %get3A_416 : vector<8x128xf32>
      scf.yield %add3A_417 : vector<8x128xf32>
    }
    %while3A_256 = arith.constant 1 : i32
    %while3A_257 = scf.for %while3A_405 = %while3A_253 to %while3A_249 step %while3A_256 iter_args(%while3A_406 = %while3A_255) -> (vector<8x128xf32>)  : i32 {
      %mul3A_407 = arith.constant 128 : i32
      %mul3A_408 = arith.muli %arg0, %mul3A_407 : i32
      %add3A_409 = arith.addi %mul3A_408, %while3A_405 : i32
      %get3A_410 = arith.index_cast %add3A_409 : i32 to index
      %get3A_411 = memref.load %arg1[%get3A_410] : memref<4096xi32, #tpu.memory_space<smem>>
      %get3A_412 = arith.index_cast %get3A_411 : i32 to index
      %get3A_413 = arith.constant 0 : index
      %get3A_414 = arith.constant 0 : index
      %get3A_415 = vector.load %arg8[%get3A_412, %get3A_413, %get3A_414] : memref<128x8x128xf32, #tpu.memory_space<vmem>>, vector<1x8x128xf32>
      %get3A_416 = vector.shape_cast %get3A_415 : vector<1x8x128xf32> to vector<8x128xf32>
      %add3A_417 = arith.addf %while3A_406, %get3A_416 : vector<8x128xf32>
      scf.yield %add3A_417 : vector<8x128xf32>
    }
    %swap3A_258 = arith.constant 5 : index
    %swap3A_259 = arith.constant 0 : index
    %swap3A_260 = arith.constant 0 : index
    %swap3A_261 = vector.load %arg7[%swap3A_258, %swap3A_259, %swap3A_260] : memref<10x8x128xf32, #tpu.memory_space<vmem>>, vector<1x8x128xf32>
    %swap3A_262 = vector.shape_cast %swap3A_261 : vector<1x8x128xf32> to vector<8x128xf32>
    %swap3A_263 = vector.shape_cast %while3A_257 : vector<8x128xf32> to vector<1x8x128xf32>
    tpu.vector_store %arg7[%swap3A_258, %swap3A_259, %swap3A_260], %swap3A_263 {strides = array<i32>} : memref<10x8x128xf32, #tpu.memory_space<vmem>>, vector<1x8x128xf32>,
    %mul3A_264 = arith.constant 10 : i32
    %mul3A_265 = arith.muli %arg0, %mul3A_264 : i32
    %add3A_266 = arith.constant 6 : i32
    %add3A_267 = arith.addi %mul3A_265, %add3A_266 : i32
    %get3A_268 = arith.index_cast %add3A_267 : i32 to index
    %get3A_269 = memref.load %arg2[%get3A_268] : memref<320xi32, #tpu.memory_space<smem>>
    %mul3A_270 = arith.constant 10 : i32
    %mul3A_271 = arith.muli %arg0, %mul3A_270 : i32
    %add3A_272 = arith.constant 6 : i32
    %add3A_273 = arith.addi %mul3A_271, %add3A_272 : i32
    %get3A_274 = arith.index_cast %add3A_273 : i32 to index
    %get3A_275 = memref.load %arg3[%get3A_274] : memref<330xi32, #tpu.memory_space<smem>>
    %add3A_276 = arith.addi %get3A_269, %get3A_275 : i32
    %get3A_277 = arith.constant 6 : index
    %get3A_278 = arith.constant 0 : index
    %get3A_279 = arith.constant 0 : index
    %get3A_280 = vector.load %arg7[%get3A_277, %get3A_278, %get3A_279] : memref<10x8x128xf32, #tpu.memory_space<vmem>>, vector<1x8x128xf32>
    %get3A_281 = vector.shape_cast %get3A_280 : vector<1x8x128xf32> to vector<8x128xf32>
    %while3A_282 = arith.subi %add3A_276, %get3A_269 : i32
    %while3A_283 = arith.addi %get3A_269, %while3A_282 : i32
    %while3A_284 = arith.constant 1 : i32
    %while3A_285 = arith.divsi %while3A_282, %while3A_284 : i32
    %while3A_286 = arith.muli %while3A_285, %while3A_284 : i32
    %while3A_287 = arith.addi %get3A_269, %while3A_286 : i32
    %while3A_288 = arith.constant 1 : i32
    %while3A_289 = scf.for %while3A_405 = %get3A_269 to %while3A_287 step %while3A_288 iter_args(%while3A_406 = %get3A_281) -> (vector<8x128xf32>)  : i32 {
      %mul3A_407 = arith.constant 128 : i32
      %mul3A_408 = arith.muli %arg0, %mul3A_407 : i32
      %add3A_409 = arith.addi %mul3A_408, %while3A_405 : i32
      %get3A_410 = arith.index_cast %add3A_409 : i32 to index
      %get3A_411 = memref.load %arg1[%get3A_410] : memref<4096xi32, #tpu.memory_space<smem>>
      %get3A_412 = arith.index_cast %get3A_411 : i32 to index
      %get3A_413 = arith.constant 0 : index
      %get3A_414 = arith.constant 0 : index
      %get3A_415 = vector.load %arg8[%get3A_412, %get3A_413, %get3A_414] : memref<128x8x128xf32, #tpu.memory_space<vmem>>, vector<1x8x128xf32>
      %get3A_416 = vector.shape_cast %get3A_415 : vector<1x8x128xf32> to vector<8x128xf32>
      %add3A_417 = arith.addf %while3A_406, %get3A_416 : vector<8x128xf32>
      scf.yield %add3A_417 : vector<8x128xf32>
    }
    %while3A_290 = arith.constant 1 : i32
    %while3A_291 = scf.for %while3A_405 = %while3A_287 to %while3A_283 step %while3A_290 iter_args(%while3A_406 = %while3A_289) -> (vector<8x128xf32>)  : i32 {
      %mul3A_407 = arith.constant 128 : i32
      %mul3A_408 = arith.muli %arg0, %mul3A_407 : i32
      %add3A_409 = arith.addi %mul3A_408, %while3A_405 : i32
      %get3A_410 = arith.index_cast %add3A_409 : i32 to index
      %get3A_411 = memref.load %arg1[%get3A_410] : memref<4096xi32, #tpu.memory_space<smem>>
      %get3A_412 = arith.index_cast %get3A_411 : i32 to index
      %get3A_413 = arith.constant 0 : index
      %get3A_414 = arith.constant 0 : index
      %get3A_415 = vector.load %arg8[%get3A_412, %get3A_413, %get3A_414] : memref<128x8x128xf32, #tpu.memory_space<vmem>>, vector<1x8x128xf32>
      %get3A_416 = vector.shape_cast %get3A_415 : vector<1x8x128xf32> to vector<8x128xf32>
      %add3A_417 = arith.addf %while3A_406, %get3A_416 : vector<8x128xf32>
      scf.yield %add3A_417 : vector<8x128xf32>
    }
    %swap3A_292 = arith.constant 6 : index
    %swap3A_293 = arith.constant 0 : index
    %swap3A_294 = arith.constant 0 : index
    %swap3A_295 = vector.load %arg7[%swap3A_292, %swap3A_293, %swap3A_294] : memref<10x8x128xf32, #tpu.memory_space<vmem>>, vector<1x8x128xf32>
    %swap3A_296 = vector.shape_cast %swap3A_295 : vector<1x8x128xf32> to vector<8x128xf32>
    %swap3A_297 = vector.shape_cast %while3A_291 : vector<8x128xf32> to vector<1x8x128xf32>
    tpu.vector_store %arg7[%swap3A_292, %swap3A_293, %swap3A_294], %swap3A_297 {strides = array<i32>} : memref<10x8x128xf32, #tpu.memory_space<vmem>>, vector<1x8x128xf32>,
    %mul3A_298 = arith.constant 10 : i32
    %mul3A_299 = arith.muli %arg0, %mul3A_298 : i32
    %add3A_300 = arith.constant 7 : i32
    %add3A_301 = arith.addi %mul3A_299, %add3A_300 : i32
    %get3A_302 = arith.index_cast %add3A_301 : i32 to index
    %get3A_303 = memref.load %arg2[%get3A_302] : memref<320xi32, #tpu.memory_space<smem>>
    %mul3A_304 = arith.constant 10 : i32
    %mul3A_305 = arith.muli %arg0, %mul3A_304 : i32
    %add3A_306 = arith.constant 7 : i32
    %add3A_307 = arith.addi %mul3A_305, %add3A_306 : i32
    %get3A_308 = arith.index_cast %add3A_307 : i32 to index
    %get3A_309 = memref.load %arg3[%get3A_308] : memref<330xi32, #tpu.memory_space<smem>>
    %add3A_310 = arith.addi %get3A_303, %get3A_309 : i32
    %get3A_311 = arith.constant 7 : index
    %get3A_312 = arith.constant 0 : index
    %get3A_313 = arith.constant 0 : index
    %get3A_314 = vector.load %arg7[%get3A_311, %get3A_312, %get3A_313] : memref<10x8x128xf32, #tpu.memory_space<vmem>>, vector<1x8x128xf32>
    %get3A_315 = vector.shape_cast %get3A_314 : vector<1x8x128xf32> to vector<8x128xf32>
    %while3A_316 = arith.subi %add3A_310, %get3A_303 : i32
    %while3A_317 = arith.addi %get3A_303, %while3A_316 : i32
    %while3A_318 = arith.constant 1 : i32
    %while3A_319 = arith.divsi %while3A_316, %while3A_318 : i32
    %while3A_320 = arith.muli %while3A_319, %while3A_318 : i32
    %while3A_321 = arith.addi %get3A_303, %while3A_320 : i32
    %while3A_322 = arith.constant 1 : i32
    %while3A_323 = scf.for %while3A_405 = %get3A_303 to %while3A_321 step %while3A_322 iter_args(%while3A_406 = %get3A_315) -> (vector<8x128xf32>)  : i32 {
      %mul3A_407 = arith.constant 128 : i32
      %mul3A_408 = arith.muli %arg0, %mul3A_407 : i32
      %add3A_409 = arith.addi %mul3A_408, %while3A_405 : i32
      %get3A_410 = arith.index_cast %add3A_409 : i32 to index
      %get3A_411 = memref.load %arg1[%get3A_410] : memref<4096xi32, #tpu.memory_space<smem>>
      %get3A_412 = arith.index_cast %get3A_411 : i32 to index
      %get3A_413 = arith.constant 0 : index
      %get3A_414 = arith.constant 0 : index
      %get3A_415 = vector.load %arg8[%get3A_412, %get3A_413, %get3A_414] : memref<128x8x128xf32, #tpu.memory_space<vmem>>, vector<1x8x128xf32>
      %get3A_416 = vector.shape_cast %get3A_415 : vector<1x8x128xf32> to vector<8x128xf32>
      %add3A_417 = arith.addf %while3A_406, %get3A_416 : vector<8x128xf32>
      scf.yield %add3A_417 : vector<8x128xf32>
    }
    %while3A_324 = arith.constant 1 : i32
    %while3A_325 = scf.for %while3A_405 = %while3A_321 to %while3A_317 step %while3A_324 iter_args(%while3A_406 = %while3A_323) -> (vector<8x128xf32>)  : i32 {
      %mul3A_407 = arith.constant 128 : i32
      %mul3A_408 = arith.muli %arg0, %mul3A_407 : i32
      %add3A_409 = arith.addi %mul3A_408, %while3A_405 : i32
      %get3A_410 = arith.index_cast %add3A_409 : i32 to index
      %get3A_411 = memref.load %arg1[%get3A_410] : memref<4096xi32, #tpu.memory_space<smem>>
      %get3A_412 = arith.index_cast %get3A_411 : i32 to index
      %get3A_413 = arith.constant 0 : index
      %get3A_414 = arith.constant 0 : index
      %get3A_415 = vector.load %arg8[%get3A_412, %get3A_413, %get3A_414] : memref<128x8x128xf32, #tpu.memory_space<vmem>>, vector<1x8x128xf32>
      %get3A_416 = vector.shape_cast %get3A_415 : vector<1x8x128xf32> to vector<8x128xf32>
      %add3A_417 = arith.addf %while3A_406, %get3A_416 : vector<8x128xf32>
      scf.yield %add3A_417 : vector<8x128xf32>
    }
    %swap3A_326 = arith.constant 7 : index
    %swap3A_327 = arith.constant 0 : index
    %swap3A_328 = arith.constant 0 : index
    %swap3A_329 = vector.load %arg7[%swap3A_326, %swap3A_327, %swap3A_328] : memref<10x8x128xf32, #tpu.memory_space<vmem>>, vector<1x8x128xf32>
    %swap3A_330 = vector.shape_cast %swap3A_329 : vector<1x8x128xf32> to vector<8x128xf32>
    %swap3A_331 = vector.shape_cast %while3A_325 : vector<8x128xf32> to vector<1x8x128xf32>
    tpu.vector_store %arg7[%swap3A_326, %swap3A_327, %swap3A_328], %swap3A_331 {strides = array<i32>} : memref<10x8x128xf32, #tpu.memory_space<vmem>>, vector<1x8x128xf32>,
    %mul3A_332 = arith.constant 10 : i32
    %mul3A_333 = arith.muli %arg0, %mul3A_332 : i32
    %add3A_334 = arith.constant 8 : i32
    %add3A_335 = arith.addi %mul3A_333, %add3A_334 : i32
    %get3A_336 = arith.index_cast %add3A_335 : i32 to index
    %get3A_337 = memref.load %arg2[%get3A_336] : memref<320xi32, #tpu.memory_space<smem>>
    %mul3A_338 = arith.constant 10 : i32
    %mul3A_339 = arith.muli %arg0, %mul3A_338 : i32
    %add3A_340 = arith.constant 8 : i32
    %add3A_341 = arith.addi %mul3A_339, %add3A_340 : i32
    %get3A_342 = arith.index_cast %add3A_341 : i32 to index
    %get3A_343 = memref.load %arg3[%get3A_342] : memref<330xi32, #tpu.memory_space<smem>>
    %add3A_344 = arith.addi %get3A_337, %get3A_343 : i32
    %get3A_345 = arith.constant 8 : index
    %get3A_346 = arith.constant 0 : index
    %get3A_347 = arith.constant 0 : index
    %get3A_348 = vector.load %arg7[%get3A_345, %get3A_346, %get3A_347] : memref<10x8x128xf32, #tpu.memory_space<vmem>>, vector<1x8x128xf32>
    %get3A_349 = vector.shape_cast %get3A_348 : vector<1x8x128xf32> to vector<8x128xf32>
    %while3A_350 = arith.subi %add3A_344, %get3A_337 : i32
    %while3A_351 = arith.addi %get3A_337, %while3A_350 : i32
    %while3A_352 = arith.constant 1 : i32
    %while3A_353 = arith.divsi %while3A_350, %while3A_352 : i32
    %while3A_354 = arith.muli %while3A_353, %while3A_352 : i32
    %while3A_355 = arith.addi %get3A_337, %while3A_354 : i32
    %while3A_356 = arith.constant 1 : i32
    %while3A_357 = scf.for %while3A_405 = %get3A_337 to %while3A_355 step %while3A_356 iter_args(%while3A_406 = %get3A_349) -> (vector<8x128xf32>)  : i32 {
      %mul3A_407 = arith.constant 128 : i32
      %mul3A_408 = arith.muli %arg0, %mul3A_407 : i32
      %add3A_409 = arith.addi %mul3A_408, %while3A_405 : i32
      %get3A_410 = arith.index_cast %add3A_409 : i32 to index
      %get3A_411 = memref.load %arg1[%get3A_410] : memref<4096xi32, #tpu.memory_space<smem>>
      %get3A_412 = arith.index_cast %get3A_411 : i32 to index
      %get3A_413 = arith.constant 0 : index
      %get3A_414 = arith.constant 0 : index
      %get3A_415 = vector.load %arg8[%get3A_412, %get3A_413, %get3A_414] : memref<128x8x128xf32, #tpu.memory_space<vmem>>, vector<1x8x128xf32>
      %get3A_416 = vector.shape_cast %get3A_415 : vector<1x8x128xf32> to vector<8x128xf32>
      %add3A_417 = arith.addf %while3A_406, %get3A_416 : vector<8x128xf32>
      scf.yield %add3A_417 : vector<8x128xf32>
    }
    %while3A_358 = arith.constant 1 : i32
    %while3A_359 = scf.for %while3A_405 = %while3A_355 to %while3A_351 step %while3A_358 iter_args(%while3A_406 = %while3A_357) -> (vector<8x128xf32>)  : i32 {
      %mul3A_407 = arith.constant 128 : i32
      %mul3A_408 = arith.muli %arg0, %mul3A_407 : i32
      %add3A_409 = arith.addi %mul3A_408, %while3A_405 : i32
      %get3A_410 = arith.index_cast %add3A_409 : i32 to index
      %get3A_411 = memref.load %arg1[%get3A_410] : memref<4096xi32, #tpu.memory_space<smem>>
      %get3A_412 = arith.index_cast %get3A_411 : i32 to index
      %get3A_413 = arith.constant 0 : index
      %get3A_414 = arith.constant 0 : index
      %get3A_415 = vector.load %arg8[%get3A_412, %get3A_413, %get3A_414] : memref<128x8x128xf32, #tpu.memory_space<vmem>>, vector<1x8x128xf32>
      %get3A_416 = vector.shape_cast %get3A_415 : vector<1x8x128xf32> to vector<8x128xf32>
      %add3A_417 = arith.addf %while3A_406, %get3A_416 : vector<8x128xf32>
      scf.yield %add3A_417 : vector<8x128xf32>
    }
    %swap3A_360 = arith.constant 8 : index
    %swap3A_361 = arith.constant 0 : index
    %swap3A_362 = arith.constant 0 : index
    %swap3A_363 = vector.load %arg7[%swap3A_360, %swap3A_361, %swap3A_362] : memref<10x8x128xf32, #tpu.memory_space<vmem>>, vector<1x8x128xf32>
    %swap3A_364 = vector.shape_cast %swap3A_363 : vector<1x8x128xf32> to vector<8x128xf32>
    %swap3A_365 = vector.shape_cast %while3A_359 : vector<8x128xf32> to vector<1x8x128xf32>
    tpu.vector_store %arg7[%swap3A_360, %swap3A_361, %swap3A_362], %swap3A_365 {strides = array<i32>} : memref<10x8x128xf32, #tpu.memory_space<vmem>>, vector<1x8x128xf32>,
    %mul3A_366 = arith.constant 10 : i32
    %mul3A_367 = arith.muli %arg0, %mul3A_366 : i32
    %add3A_368 = arith.constant 9 : i32
    %add3A_369 = arith.addi %mul3A_367, %add3A_368 : i32
    %get3A_370 = arith.index_cast %add3A_369 : i32 to index
    %get3A_371 = memref.load %arg2[%get3A_370] : memref<320xi32, #tpu.memory_space<smem>>
    %mul3A_372 = arith.constant 10 : i32
    %mul3A_373 = arith.muli %arg0, %mul3A_372 : i32
    %add3A_374 = arith.constant 9 : i32
    %add3A_375 = arith.addi %mul3A_373, %add3A_374 : i32
    %get3A_376 = arith.index_cast %add3A_375 : i32 to index
    %get3A_377 = memref.load %arg3[%get3A_376] : memref<330xi32, #tpu.memory_space<smem>>
    %add3A_378 = arith.addi %get3A_371, %get3A_377 : i32
    %get3A_379 = arith.constant 9 : index
    %get3A_380 = arith.constant 0 : index
    %get3A_381 = arith.constant 0 : index
    %get3A_382 = vector.load %arg7[%get3A_379, %get3A_380, %get3A_381] : memref<10x8x128xf32, #tpu.memory_space<vmem>>, vector<1x8x128xf32>
    %get3A_383 = vector.shape_cast %get3A_382 : vector<1x8x128xf32> to vector<8x128xf32>
    %while3A_384 = arith.subi %add3A_378, %get3A_371 : i32
    %while3A_385 = arith.addi %get3A_371, %while3A_384 : i32
    %while3A_386 = arith.constant 1 : i32
    %while3A_387 = arith.divsi %while3A_384, %while3A_386 : i32
    %while3A_388 = arith.muli %while3A_387, %while3A_386 : i32
    %while3A_389 = arith.addi %get3A_371, %while3A_388 : i32
    %while3A_390 = arith.constant 1 : i32
    %while3A_391 = scf.for %while3A_405 = %get3A_371 to %while3A_389 step %while3A_390 iter_args(%while3A_406 = %get3A_383) -> (vector<8x128xf32>)  : i32 {
      %mul3A_407 = arith.constant 128 : i32
      %mul3A_408 = arith.muli %arg0, %mul3A_407 : i32
      %add3A_409 = arith.addi %mul3A_408, %while3A_405 : i32
      %get3A_410 = arith.index_cast %add3A_409 : i32 to index
      %get3A_411 = memref.load %arg1[%get3A_410] : memref<4096xi32, #tpu.memory_space<smem>>
      %get3A_412 = arith.index_cast %get3A_411 : i32 to index
      %get3A_413 = arith.constant 0 : index
      %get3A_414 = arith.constant 0 : index
      %get3A_415 = vector.load %arg8[%get3A_412, %get3A_413, %get3A_414] : memref<128x8x128xf32, #tpu.memory_space<vmem>>, vector<1x8x128xf32>
      %get3A_416 = vector.shape_cast %get3A_415 : vector<1x8x128xf32> to vector<8x128xf32>
      %add3A_417 = arith.addf %while3A_406, %get3A_416 : vector<8x128xf32>
      scf.yield %add3A_417 : vector<8x128xf32>
    }
    %while3A_392 = arith.constant 1 : i32
    %while3A_393 = scf.for %while3A_405 = %while3A_389 to %while3A_385 step %while3A_392 iter_args(%while3A_406 = %while3A_391) -> (vector<8x128xf32>)  : i32 {
      %mul3A_407 = arith.constant 128 : i32
      %mul3A_408 = arith.muli %arg0, %mul3A_407 : i32
      %add3A_409 = arith.addi %mul3A_408, %while3A_405 : i32
      %get3A_410 = arith.index_cast %add3A_409 : i32 to index
      %get3A_411 = memref.load %arg1[%get3A_410] : memref<4096xi32, #tpu.memory_space<smem>>
      %get3A_412 = arith.index_cast %get3A_411 : i32 to index
      %get3A_413 = arith.constant 0 : index
      %get3A_414 = arith.constant 0 : index
      %get3A_415 = vector.load %arg8[%get3A_412, %get3A_413, %get3A_414] : memref<128x8x128xf32, #tpu.memory_space<vmem>>, vector<1x8x128xf32>
      %get3A_416 = vector.shape_cast %get3A_415 : vector<1x8x128xf32> to vector<8x128xf32>
      %add3A_417 = arith.addf %while3A_406, %get3A_416 : vector<8x128xf32>
      scf.yield %add3A_417 : vector<8x128xf32>
    }
    %swap3A_394 = arith.constant 9 : index
    %swap3A_395 = arith.constant 0 : index
    %swap3A_396 = arith.constant 0 : index
    %swap3A_397 = vector.load %arg7[%swap3A_394, %swap3A_395, %swap3A_396] : memref<10x8x128xf32, #tpu.memory_space<vmem>>, vector<1x8x128xf32>
    %swap3A_398 = vector.shape_cast %swap3A_397 : vector<1x8x128xf32> to vector<8x128xf32>
    %swap3A_399 = vector.shape_cast %while3A_393 : vector<8x128xf32> to vector<1x8x128xf32>
    tpu.vector_store %arg7[%swap3A_394, %swap3A_395, %swap3A_396], %swap3A_399 {strides = array<i32>} : memref<10x8x128xf32, #tpu.memory_space<vmem>>, vector<1x8x128xf32>,
    %eq3A_400 = arith.constant 31 : i32
    %eq3A_401 = arith.cmpi eq, %arg0, %eq3A_400 : i32
    %convert_element_type3A_402 = arith.extui %eq3A_401 : i1 to i32
    %cond3A_403 = arith.constant 0 : i32
    %cond3A_404 = arith.cmpi ne, %convert_element_type3A_402, %cond3A_403 : i32
    scf.if %cond3A_404 {
      %get3A_405 = arith.constant 320 : index
      %get3A_406 = memref.load %arg3[%get3A_405] : memref<330xi32, #tpu.memory_space<smem>>
      %get3A_407 = arith.constant 0 : index
      %get3A_408 = arith.constant 0 : index
      %get3A_409 = arith.constant 0 : index
      %get3A_410 = vector.load %arg7[%get3A_407, %get3A_408, %get3A_409] : memref<10x8x128xf32, #tpu.memory_space<vmem>>, vector<1x8x128xf32>
      %get3A_411 = vector.shape_cast %get3A_410 : vector<1x8x128xf32> to vector<8x128xf32>
      %convert_element_type3A_412 = arith.sitofp %get3A_406 : i32 to f32
      %max3A = arith.constant 1.000000e+00 : f32
      %max3A_413 = arith.maximumf %convert_element_type3A_412, %max3A : f32
      %div3A = vector.broadcast %max3A_413 : f32 to vector<8x128xf32>
      %div3A_414 = arith.divf %get3A_411, %div3A : vector<8x128xf32>
      %gt3A = arith.constant 0 : i32
      %gt3A_415 = arith.cmpi sgt, %get3A_406, %gt3A : i32
      %jit3A = arith.constant 0.000000e+00 : f32
      %broadcast_in_dim3A_416 = vector.broadcast %jit3A : f32 to vector<8x128xf32>
      %select_n3A = arith.select %gt3A_415, %div3A_414, %broadcast_in_dim3A_416 : vector<8x128xf32>
      %swap3A_417 = arith.constant 0 : index
      %swap3A_418 = arith.constant 0 : index
      %swap3A_419 = arith.constant 0 : index
      %swap3A_420 = vector.load %arg5[%swap3A_417, %swap3A_418, %swap3A_419] : memref<10x8x128xf32, #tpu.memory_space<vmem>>, vector<1x8x128xf32>
      %swap3A_421 = vector.shape_cast %swap3A_420 : vector<1x8x128xf32> to vector<8x128xf32>
      %swap3A_422 = vector.shape_cast %select_n3A : vector<8x128xf32> to vector<1x8x128xf32>
      tpu.vector_store %arg5[%swap3A_417, %swap3A_418, %swap3A_419], %swap3A_422 {strides = array<i32>} : memref<10x8x128xf32, #tpu.memory_space<vmem>>, vector<1x8x128xf32>,
      %get3A_423 = arith.constant 321 : index
      %get3A_424 = memref.load %arg3[%get3A_423] : memref<330xi32, #tpu.memory_space<smem>>
      %get3A_425 = arith.constant 1 : index
      %get3A_426 = arith.constant 0 : index
      %get3A_427 = arith.constant 0 : index
      %get3A_428 = vector.load %arg7[%get3A_425, %get3A_426, %get3A_427] : memref<10x8x128xf32, #tpu.memory_space<vmem>>, vector<1x8x128xf32>
      %get3A_429 = vector.shape_cast %get3A_428 : vector<1x8x128xf32> to vector<8x128xf32>
      %convert_element_type3A_430 = arith.sitofp %get3A_424 : i32 to f32
      %max3A_431 = arith.constant 1.000000e+00 : f32
      %max3A_432 = arith.maximumf %convert_element_type3A_430, %max3A_431 : f32
      %div3A_433 = vector.broadcast %max3A_432 : f32 to vector<8x128xf32>
      %div3A_434 = arith.divf %get3A_429, %div3A_433 : vector<8x128xf32>
      %gt3A_435 = arith.constant 0 : i32
      %gt3A_436 = arith.cmpi sgt, %get3A_424, %gt3A_435 : i32
      %jit3A_437 = arith.constant 0.000000e+00 : f32
      %broadcast_in_dim3A_438 = vector.broadcast %jit3A_437 : f32 to vector<8x128xf32>
      %select_n3A_439 = arith.select %gt3A_436, %div3A_434, %broadcast_in_dim3A_438 : vector<8x128xf32>
      %swap3A_440 = arith.constant 1 : index
      %swap3A_441 = arith.constant 0 : index
      %swap3A_442 = arith.constant 0 : index
      %swap3A_443 = vector.load %arg5[%swap3A_440, %swap3A_441, %swap3A_442] : memref<10x8x128xf32, #tpu.memory_space<vmem>>, vector<1x8x128xf32>
      %swap3A_444 = vector.shape_cast %swap3A_443 : vector<1x8x128xf32> to vector<8x128xf32>
      %swap3A_445 = vector.shape_cast %select_n3A_439 : vector<8x128xf32> to vector<1x8x128xf32>
      tpu.vector_store %arg5[%swap3A_440, %swap3A_441, %swap3A_442], %swap3A_445 {strides = array<i32>} : memref<10x8x128xf32, #tpu.memory_space<vmem>>, vector<1x8x128xf32>,
      %get3A_446 = arith.constant 322 : index
      %get3A_447 = memref.load %arg3[%get3A_446] : memref<330xi32, #tpu.memory_space<smem>>
      %get3A_448 = arith.constant 2 : index
      %get3A_449 = arith.constant 0 : index
      %get3A_450 = arith.constant 0 : index
      %get3A_451 = vector.load %arg7[%get3A_448, %get3A_449, %get3A_450] : memref<10x8x128xf32, #tpu.memory_space<vmem>>, vector<1x8x128xf32>
      %get3A_452 = vector.shape_cast %get3A_451 : vector<1x8x128xf32> to vector<8x128xf32>
      %convert_element_type3A_453 = arith.sitofp %get3A_447 : i32 to f32
      %max3A_454 = arith.constant 1.000000e+00 : f32
      %max3A_455 = arith.maximumf %convert_element_type3A_453, %max3A_454 : f32
      %div3A_456 = vector.broadcast %max3A_455 : f32 to vector<8x128xf32>
      %div3A_457 = arith.divf %get3A_452, %div3A_456 : vector<8x128xf32>
      %gt3A_458 = arith.constant 0 : i32
      %gt3A_459 = arith.cmpi sgt, %get3A_447, %gt3A_458 : i32
      %jit3A_460 = arith.constant 0.000000e+00 : f32
      %broadcast_in_dim3A_461 = vector.broadcast %jit3A_460 : f32 to vector<8x128xf32>
      %select_n3A_462 = arith.select %gt3A_459, %div3A_457, %broadcast_in_dim3A_461 : vector<8x128xf32>
      %swap3A_463 = arith.constant 2 : index
      %swap3A_464 = arith.constant 0 : index
      %swap3A_465 = arith.constant 0 : index
      %swap3A_466 = vector.load %arg5[%swap3A_463, %swap3A_464, %swap3A_465] : memref<10x8x128xf32, #tpu.memory_space<vmem>>, vector<1x8x128xf32>
      %swap3A_467 = vector.shape_cast %swap3A_466 : vector<1x8x128xf32> to vector<8x128xf32>
      %swap3A_468 = vector.shape_cast %select_n3A_462 : vector<8x128xf32> to vector<1x8x128xf32>
      tpu.vector_store %arg5[%swap3A_463, %swap3A_464, %swap3A_465], %swap3A_468 {strides = array<i32>} : memref<10x8x128xf32, #tpu.memory_space<vmem>>, vector<1x8x128xf32>,
      %get3A_469 = arith.constant 323 : index
      %get3A_470 = memref.load %arg3[%get3A_469] : memref<330xi32, #tpu.memory_space<smem>>
      %get3A_471 = arith.constant 3 : index
      %get3A_472 = arith.constant 0 : index
      %get3A_473 = arith.constant 0 : index
      %get3A_474 = vector.load %arg7[%get3A_471, %get3A_472, %get3A_473] : memref<10x8x128xf32, #tpu.memory_space<vmem>>, vector<1x8x128xf32>
      %get3A_475 = vector.shape_cast %get3A_474 : vector<1x8x128xf32> to vector<8x128xf32>
      %convert_element_type3A_476 = arith.sitofp %get3A_470 : i32 to f32
      %max3A_477 = arith.constant 1.000000e+00 : f32
      %max3A_478 = arith.maximumf %convert_element_type3A_476, %max3A_477 : f32
      %div3A_479 = vector.broadcast %max3A_478 : f32 to vector<8x128xf32>
      %div3A_480 = arith.divf %get3A_475, %div3A_479 : vector<8x128xf32>
      %gt3A_481 = arith.constant 0 : i32
      %gt3A_482 = arith.cmpi sgt, %get3A_470, %gt3A_481 : i32
      %jit3A_483 = arith.constant 0.000000e+00 : f32
      %broadcast_in_dim3A_484 = vector.broadcast %jit3A_483 : f32 to vector<8x128xf32>
      %select_n3A_485 = arith.select %gt3A_482, %div3A_480, %broadcast_in_dim3A_484 : vector<8x128xf32>
      %swap3A_486 = arith.constant 3 : index
      %swap3A_487 = arith.constant 0 : index
      %swap3A_488 = arith.constant 0 : index
      %swap3A_489 = vector.load %arg5[%swap3A_486, %swap3A_487, %swap3A_488] : memref<10x8x128xf32, #tpu.memory_space<vmem>>, vector<1x8x128xf32>
      %swap3A_490 = vector.shape_cast %swap3A_489 : vector<1x8x128xf32> to vector<8x128xf32>
      %swap3A_491 = vector.shape_cast %select_n3A_485 : vector<8x128xf32> to vector<1x8x128xf32>
      tpu.vector_store %arg5[%swap3A_486, %swap3A_487, %swap3A_488], %swap3A_491 {strides = array<i32>} : memref<10x8x128xf32, #tpu.memory_space<vmem>>, vector<1x8x128xf32>,
      %get3A_492 = arith.constant 324 : index
      %get3A_493 = memref.load %arg3[%get3A_492] : memref<330xi32, #tpu.memory_space<smem>>
      %get3A_494 = arith.constant 4 : index
      %get3A_495 = arith.constant 0 : index
      %get3A_496 = arith.constant 0 : index
      %get3A_497 = vector.load %arg7[%get3A_494, %get3A_495, %get3A_496] : memref<10x8x128xf32, #tpu.memory_space<vmem>>, vector<1x8x128xf32>
      %get3A_498 = vector.shape_cast %get3A_497 : vector<1x8x128xf32> to vector<8x128xf32>
      %convert_element_type3A_499 = arith.sitofp %get3A_493 : i32 to f32
      %max3A_500 = arith.constant 1.000000e+00 : f32
      %max3A_501 = arith.maximumf %convert_element_type3A_499, %max3A_500 : f32
      %div3A_502 = vector.broadcast %max3A_501 : f32 to vector<8x128xf32>
      %div3A_503 = arith.divf %get3A_498, %div3A_502 : vector<8x128xf32>
      %gt3A_504 = arith.constant 0 : i32
      %gt3A_505 = arith.cmpi sgt, %get3A_493, %gt3A_504 : i32
      %jit3A_506 = arith.constant 0.000000e+00 : f32
      %broadcast_in_dim3A_507 = vector.broadcast %jit3A_506 : f32 to vector<8x128xf32>
      %select_n3A_508 = arith.select %gt3A_505, %div3A_503, %broadcast_in_dim3A_507 : vector<8x128xf32>
      %swap3A_509 = arith.constant 4 : index
      %swap3A_510 = arith.constant 0 : index
      %swap3A_511 = arith.constant 0 : index
      %swap3A_512 = vector.load %arg5[%swap3A_509, %swap3A_510, %swap3A_511] : memref<10x8x128xf32, #tpu.memory_space<vmem>>, vector<1x8x128xf32>
      %swap3A_513 = vector.shape_cast %swap3A_512 : vector<1x8x128xf32> to vector<8x128xf32>
      %swap3A_514 = vector.shape_cast %select_n3A_508 : vector<8x128xf32> to vector<1x8x128xf32>
      tpu.vector_store %arg5[%swap3A_509, %swap3A_510, %swap3A_511], %swap3A_514 {strides = array<i32>} : memref<10x8x128xf32, #tpu.memory_space<vmem>>, vector<1x8x128xf32>,
      %get3A_515 = arith.constant 325 : index
      %get3A_516 = memref.load %arg3[%get3A_515] : memref<330xi32, #tpu.memory_space<smem>>
      %get3A_517 = arith.constant 5 : index
      %get3A_518 = arith.constant 0 : index
      %get3A_519 = arith.constant 0 : index
      %get3A_520 = vector.load %arg7[%get3A_517, %get3A_518, %get3A_519] : memref<10x8x128xf32, #tpu.memory_space<vmem>>, vector<1x8x128xf32>
      %get3A_521 = vector.shape_cast %get3A_520 : vector<1x8x128xf32> to vector<8x128xf32>
      %convert_element_type3A_522 = arith.sitofp %get3A_516 : i32 to f32
      %max3A_523 = arith.constant 1.000000e+00 : f32
      %max3A_524 = arith.maximumf %convert_element_type3A_522, %max3A_523 : f32
      %div3A_525 = vector.broadcast %max3A_524 : f32 to vector<8x128xf32>
      %div3A_526 = arith.divf %get3A_521, %div3A_525 : vector<8x128xf32>
      %gt3A_527 = arith.constant 0 : i32
      %gt3A_528 = arith.cmpi sgt, %get3A_516, %gt3A_527 : i32
      %jit3A_529 = arith.constant 0.000000e+00 : f32
      %broadcast_in_dim3A_530 = vector.broadcast %jit3A_529 : f32 to vector<8x128xf32>
      %select_n3A_531 = arith.select %gt3A_528, %div3A_526, %broadcast_in_dim3A_530 : vector<8x128xf32>
      %swap3A_532 = arith.constant 5 : index
      %swap3A_533 = arith.constant 0 : index
      %swap3A_534 = arith.constant 0 : index
      %swap3A_535 = vector.load %arg5[%swap3A_532, %swap3A_533, %swap3A_534] : memref<10x8x128xf32, #tpu.memory_space<vmem>>, vector<1x8x128xf32>
      %swap3A_536 = vector.shape_cast %swap3A_535 : vector<1x8x128xf32> to vector<8x128xf32>
      %swap3A_537 = vector.shape_cast %select_n3A_531 : vector<8x128xf32> to vector<1x8x128xf32>
      tpu.vector_store %arg5[%swap3A_532, %swap3A_533, %swap3A_534], %swap3A_537 {strides = array<i32>} : memref<10x8x128xf32, #tpu.memory_space<vmem>>, vector<1x8x128xf32>,
      %get3A_538 = arith.constant 326 : index
      %get3A_539 = memref.load %arg3[%get3A_538] : memref<330xi32, #tpu.memory_space<smem>>
      %get3A_540 = arith.constant 6 : index
      %get3A_541 = arith.constant 0 : index
      %get3A_542 = arith.constant 0 : index
      %get3A_543 = vector.load %arg7[%get3A_540, %get3A_541, %get3A_542] : memref<10x8x128xf32, #tpu.memory_space<vmem>>, vector<1x8x128xf32>
      %get3A_544 = vector.shape_cast %get3A_543 : vector<1x8x128xf32> to vector<8x128xf32>
      %convert_element_type3A_545 = arith.sitofp %get3A_539 : i32 to f32
      %max3A_546 = arith.constant 1.000000e+00 : f32
      %max3A_547 = arith.maximumf %convert_element_type3A_545, %max3A_546 : f32
      %div3A_548 = vector.broadcast %max3A_547 : f32 to vector<8x128xf32>
      %div3A_549 = arith.divf %get3A_544, %div3A_548 : vector<8x128xf32>
      %gt3A_550 = arith.constant 0 : i32
      %gt3A_551 = arith.cmpi sgt, %get3A_539, %gt3A_550 : i32
      %jit3A_552 = arith.constant 0.000000e+00 : f32
      %broadcast_in_dim3A_553 = vector.broadcast %jit3A_552 : f32 to vector<8x128xf32>
      %select_n3A_554 = arith.select %gt3A_551, %div3A_549, %broadcast_in_dim3A_553 : vector<8x128xf32>
      %swap3A_555 = arith.constant 6 : index
      %swap3A_556 = arith.constant 0 : index
      %swap3A_557 = arith.constant 0 : index
      %swap3A_558 = vector.load %arg5[%swap3A_555, %swap3A_556, %swap3A_557] : memref<10x8x128xf32, #tpu.memory_space<vmem>>, vector<1x8x128xf32>
      %swap3A_559 = vector.shape_cast %swap3A_558 : vector<1x8x128xf32> to vector<8x128xf32>
      %swap3A_560 = vector.shape_cast %select_n3A_554 : vector<8x128xf32> to vector<1x8x128xf32>
      tpu.vector_store %arg5[%swap3A_555, %swap3A_556, %swap3A_557], %swap3A_560 {strides = array<i32>} : memref<10x8x128xf32, #tpu.memory_space<vmem>>, vector<1x8x128xf32>,
      %get3A_561 = arith.constant 327 : index
      %get3A_562 = memref.load %arg3[%get3A_561] : memref<330xi32, #tpu.memory_space<smem>>
      %get3A_563 = arith.constant 7 : index
      %get3A_564 = arith.constant 0 : index
      %get3A_565 = arith.constant 0 : index
      %get3A_566 = vector.load %arg7[%get3A_563, %get3A_564, %get3A_565] : memref<10x8x128xf32, #tpu.memory_space<vmem>>, vector<1x8x128xf32>
      %get3A_567 = vector.shape_cast %get3A_566 : vector<1x8x128xf32> to vector<8x128xf32>
      %convert_element_type3A_568 = arith.sitofp %get3A_562 : i32 to f32
      %max3A_569 = arith.constant 1.000000e+00 : f32
      %max3A_570 = arith.maximumf %convert_element_type3A_568, %max3A_569 : f32
      %div3A_571 = vector.broadcast %max3A_570 : f32 to vector<8x128xf32>
      %div3A_572 = arith.divf %get3A_567, %div3A_571 : vector<8x128xf32>
      %gt3A_573 = arith.constant 0 : i32
      %gt3A_574 = arith.cmpi sgt, %get3A_562, %gt3A_573 : i32
      %jit3A_575 = arith.constant 0.000000e+00 : f32
      %broadcast_in_dim3A_576 = vector.broadcast %jit3A_575 : f32 to vector<8x128xf32>
      %select_n3A_577 = arith.select %gt3A_574, %div3A_572, %broadcast_in_dim3A_576 : vector<8x128xf32>
      %swap3A_578 = arith.constant 7 : index
      %swap3A_579 = arith.constant 0 : index
      %swap3A_580 = arith.constant 0 : index
      %swap3A_581 = vector.load %arg5[%swap3A_578, %swap3A_579, %swap3A_580] : memref<10x8x128xf32, #tpu.memory_space<vmem>>, vector<1x8x128xf32>
      %swap3A_582 = vector.shape_cast %swap3A_581 : vector<1x8x128xf32> to vector<8x128xf32>
      %swap3A_583 = vector.shape_cast %select_n3A_577 : vector<8x128xf32> to vector<1x8x128xf32>
      tpu.vector_store %arg5[%swap3A_578, %swap3A_579, %swap3A_580], %swap3A_583 {strides = array<i32>} : memref<10x8x128xf32, #tpu.memory_space<vmem>>, vector<1x8x128xf32>,
      %get3A_584 = arith.constant 328 : index
      %get3A_585 = memref.load %arg3[%get3A_584] : memref<330xi32, #tpu.memory_space<smem>>
      %get3A_586 = arith.constant 8 : index
      %get3A_587 = arith.constant 0 : index
      %get3A_588 = arith.constant 0 : index
      %get3A_589 = vector.load %arg7[%get3A_586, %get3A_587, %get3A_588] : memref<10x8x128xf32, #tpu.memory_space<vmem>>, vector<1x8x128xf32>
      %get3A_590 = vector.shape_cast %get3A_589 : vector<1x8x128xf32> to vector<8x128xf32>
      %convert_element_type3A_591 = arith.sitofp %get3A_585 : i32 to f32
      %max3A_592 = arith.constant 1.000000e+00 : f32
      %max3A_593 = arith.maximumf %convert_element_type3A_591, %max3A_592 : f32
      %div3A_594 = vector.broadcast %max3A_593 : f32 to vector<8x128xf32>
      %div3A_595 = arith.divf %get3A_590, %div3A_594 : vector<8x128xf32>
      %gt3A_596 = arith.constant 0 : i32
      %gt3A_597 = arith.cmpi sgt, %get3A_585, %gt3A_596 : i32
      %jit3A_598 = arith.constant 0.000000e+00 : f32
      %broadcast_in_dim3A_599 = vector.broadcast %jit3A_598 : f32 to vector<8x128xf32>
      %select_n3A_600 = arith.select %gt3A_597, %div3A_595, %broadcast_in_dim3A_599 : vector<8x128xf32>
      %swap3A_601 = arith.constant 8 : index
      %swap3A_602 = arith.constant 0 : index
      %swap3A_603 = arith.constant 0 : index
      %swap3A_604 = vector.load %arg5[%swap3A_601, %swap3A_602, %swap3A_603] : memref<10x8x128xf32, #tpu.memory_space<vmem>>, vector<1x8x128xf32>
      %swap3A_605 = vector.shape_cast %swap3A_604 : vector<1x8x128xf32> to vector<8x128xf32>
      %swap3A_606 = vector.shape_cast %select_n3A_600 : vector<8x128xf32> to vector<1x8x128xf32>
      tpu.vector_store %arg5[%swap3A_601, %swap3A_602, %swap3A_603], %swap3A_606 {strides = array<i32>} : memref<10x8x128xf32, #tpu.memory_space<vmem>>, vector<1x8x128xf32>,
      %get3A_607 = arith.constant 329 : index
      %get3A_608 = memref.load %arg3[%get3A_607] : memref<330xi32, #tpu.memory_space<smem>>
      %get3A_609 = arith.constant 9 : index
      %get3A_610 = arith.constant 0 : index
      %get3A_611 = arith.constant 0 : index
      %get3A_612 = vector.load %arg7[%get3A_609, %get3A_610, %get3A_611] : memref<10x8x128xf32, #tpu.memory_space<vmem>>, vector<1x8x128xf32>
      %get3A_613 = vector.shape_cast %get3A_612 : vector<1x8x128xf32> to vector<8x128xf32>
      %convert_element_type3A_614 = arith.sitofp %get3A_608 : i32 to f32
      %max3A_615 = arith.constant 1.000000e+00 : f32
      %max3A_616 = arith.maximumf %convert_element_type3A_614, %max3A_615 : f32
      %div3A_617 = vector.broadcast %max3A_616 : f32 to vector<8x128xf32>
      %div3A_618 = arith.divf %get3A_613, %div3A_617 : vector<8x128xf32>
      %gt3A_619 = arith.constant 0 : i32
      %gt3A_620 = arith.cmpi sgt, %get3A_608, %gt3A_619 : i32
      %jit3A_621 = arith.constant 0.000000e+00 : f32
      %broadcast_in_dim3A_622 = vector.broadcast %jit3A_621 : f32 to vector<8x128xf32>
      %select_n3A_623 = arith.select %gt3A_620, %div3A_618, %broadcast_in_dim3A_622 : vector<8x128xf32>
      %swap3A_624 = arith.constant 9 : index
      %swap3A_625 = arith.constant 0 : index
      %swap3A_626 = arith.constant 0 : index
      %swap3A_627 = vector.load %arg5[%swap3A_624, %swap3A_625, %swap3A_626] : memref<10x8x128xf32, #tpu.memory_space<vmem>>, vector<1x8x128xf32>
      %swap3A_628 = vector.shape_cast %swap3A_627 : vector<1x8x128xf32> to vector<8x128xf32>
      %swap3A_629 = vector.shape_cast %select_n3A_623 : vector<8x128xf32> to vector<1x8x128xf32>
      tpu.vector_store %arg5[%swap3A_624, %swap3A_625, %swap3A_626], %swap3A_629 {strides = array<i32>} : memref<10x8x128xf32, #tpu.memory_space<vmem>>, vector<1x8x128xf32>,
      %broadcast_in_dim3A_630 = arith.constant 0 : i32
      %broadcast_in_dim3A_631 = vector.broadcast %broadcast_in_dim3A_630 : i32 to vector<8x128xi32>
      %gt3A_632 = arith.cmpf ogt, %select_n3A_439, %select_n3A : vector<8x128xf32>
      %jit3A_633 = arith.constant 1 : i32
      %broadcast_in_dim3A_634 = vector.broadcast %jit3A_633 : i32 to vector<8x128xi32>
      %select_n3A_635 = arith.select %gt3A_632, %broadcast_in_dim3A_634, %broadcast_in_dim3A_631 : vector<8x128xi1>, vector<8x128xi32>
      %select_n3A_636 = arith.select %gt3A_632, %select_n3A_439, %select_n3A : vector<8x128xi1>, vector<8x128xf32>
      %gt3A_637 = arith.cmpf ogt, %select_n3A_462, %select_n3A_636 : vector<8x128xf32>
      %jit3A_638 = arith.constant 2 : i32
      %broadcast_in_dim3A_639 = vector.broadcast %jit3A_638 : i32 to vector<8x128xi32>
      %select_n3A_640 = arith.select %gt3A_637, %broadcast_in_dim3A_639, %select_n3A_635 : vector<8x128xi1>, vector<8x128xi32>
      %select_n3A_641 = arith.select %gt3A_637, %select_n3A_462, %select_n3A_636 : vector<8x128xi1>, vector<8x128xf32>
      %gt3A_642 = arith.cmpf ogt, %select_n3A_485, %select_n3A_641 : vector<8x128xf32>
      %jit3A_643 = arith.constant 3 : i32
      %broadcast_in_dim3A_644 = vector.broadcast %jit3A_643 : i32 to vector<8x128xi32>
      %select_n3A_645 = arith.select %gt3A_642, %broadcast_in_dim3A_644, %select_n3A_640 : vector<8x128xi1>, vector<8x128xi32>
      %select_n3A_646 = arith.select %gt3A_642, %select_n3A_485, %select_n3A_641 : vector<8x128xi1>, vector<8x128xf32>
      %gt3A_647 = arith.cmpf ogt, %select_n3A_508, %select_n3A_646 : vector<8x128xf32>
      %jit3A_648 = arith.constant 4 : i32
      %broadcast_in_dim3A_649 = vector.broadcast %jit3A_648 : i32 to vector<8x128xi32>
      %select_n3A_650 = arith.select %gt3A_647, %broadcast_in_dim3A_649, %select_n3A_645 : vector<8x128xi1>, vector<8x128xi32>
      %select_n3A_651 = arith.select %gt3A_647, %select_n3A_508, %select_n3A_646 : vector<8x128xi1>, vector<8x128xf32>
      %gt3A_652 = arith.cmpf ogt, %select_n3A_531, %select_n3A_651 : vector<8x128xf32>
      %jit3A_653 = arith.constant 5 : i32
      %broadcast_in_dim3A_654 = vector.broadcast %jit3A_653 : i32 to vector<8x128xi32>
      %select_n3A_655 = arith.select %gt3A_652, %broadcast_in_dim3A_654, %select_n3A_650 : vector<8x128xi1>, vector<8x128xi32>
      %select_n3A_656 = arith.select %gt3A_652, %select_n3A_531, %select_n3A_651 : vector<8x128xi1>, vector<8x128xf32>
      %gt3A_657 = arith.cmpf ogt, %select_n3A_554, %select_n3A_656 : vector<8x128xf32>
      %jit3A_658 = arith.constant 6 : i32
      %broadcast_in_dim3A_659 = vector.broadcast %jit3A_658 : i32 to vector<8x128xi32>
      %select_n3A_660 = arith.select %gt3A_657, %broadcast_in_dim3A_659, %select_n3A_655 : vector<8x128xi1>, vector<8x128xi32>
      %select_n3A_661 = arith.select %gt3A_657, %select_n3A_554, %select_n3A_656 : vector<8x128xi1>, vector<8x128xf32>
      %gt3A_662 = arith.cmpf ogt, %select_n3A_577, %select_n3A_661 : vector<8x128xf32>
      %jit3A_663 = arith.constant 7 : i32
      %broadcast_in_dim3A_664 = vector.broadcast %jit3A_663 : i32 to vector<8x128xi32>
      %select_n3A_665 = arith.select %gt3A_662, %broadcast_in_dim3A_664, %select_n3A_660 : vector<8x128xi1>, vector<8x128xi32>
      %select_n3A_666 = arith.select %gt3A_662, %select_n3A_577, %select_n3A_661 : vector<8x128xi1>, vector<8x128xf32>
      %gt3A_667 = arith.cmpf ogt, %select_n3A_600, %select_n3A_666 : vector<8x128xf32>
      %jit3A_668 = arith.constant 8 : i32
      %broadcast_in_dim3A_669 = vector.broadcast %jit3A_668 : i32 to vector<8x128xi32>
      %select_n3A_670 = arith.select %gt3A_667, %broadcast_in_dim3A_669, %select_n3A_665 : vector<8x128xi1>, vector<8x128xi32>
      %select_n3A_671 = arith.select %gt3A_667, %select_n3A_600, %select_n3A_666 : vector<8x128xi1>, vector<8x128xf32>
      %gt3A_672 = arith.cmpf ogt, %select_n3A_623, %select_n3A_671 : vector<8x128xf32>
      %jit3A_673 = arith.constant 9 : i32
      %broadcast_in_dim3A_674 = vector.broadcast %jit3A_673 : i32 to vector<8x128xi32>
      %select_n3A_675 = arith.select %gt3A_672, %broadcast_in_dim3A_674, %select_n3A_670 : vector<8x128xi1>, vector<8x128xi32>
      %swap3A_676 = arith.constant 0 : index
      %swap3A_677 = arith.constant 0 : index
      %swap3A_678 = vector.load %arg6[%swap3A_676, %swap3A_677] : memref<8x128xi32, #tpu.memory_space<vmem>>, vector<8x128xi32>
      tpu.vector_store %arg6[%swap3A_676, %swap3A_677], %select_n3A_675 {strides = array<i32>} : memref<8x128xi32, #tpu.memory_space<vmem>>, vector<8x128xi32>,
    } else {
    }
    return
  }
  func.func @transform_0(%arg0: i32, %arg1: memref<4096xi32, #tpu.memory_space<smem>>, %arg2: memref<320xi32, #tpu.memory_space<smem>>, %arg3: memref<330xi32, #tpu.memory_space<smem>>) -> (i32, i32, i32) {
    %c0_i32 = arith.constant 0 : i32
    %c0_i32_0 = arith.constant 0 : i32
    %c0_i32_1 = arith.constant 0 : i32
    return %arg0, %c0_i32, %c0_i32_0 : i32, i32, i32
  }
  func.func @transform_1(%arg0: i32, %arg1: memref<4096xi32, #tpu.memory_space<smem>>, %arg2: memref<320xi32, #tpu.memory_space<smem>>, %arg3: memref<330xi32, #tpu.memory_space<smem>>) -> (i32, i32, i32) {
    %c0_i32 = arith.constant 0 : i32
    %c0_i32_0 = arith.constant 0 : i32
    %c0_i32_1 = arith.constant 0 : i32
    %c0_i32_2 = arith.constant 0 : i32
    return %c0_i32, %c0_i32_0, %c0_i32_1 : i32, i32, i32
  }
  func.func @transform_2(%arg0: i32, %arg1: memref<4096xi32, #tpu.memory_space<smem>>, %arg2: memref<320xi32, #tpu.memory_space<smem>>, %arg3: memref<330xi32, #tpu.memory_space<smem>>) -> (i32, i32) {
    %c0_i32 = arith.constant 0 : i32
    %c0_i32_0 = arith.constant 0 : i32
    %c0_i32_1 = arith.constant 0 : i32
    return %c0_i32, %c0_i32_0 : i32, i32
  }
}

</mosaic_0001>

<sc_bundles>
// kernel: scatter_offload_async_start
scs
__scs_entry_jumppad:
0x0: {  	(pc) =	sbr.rel $0x88, $3  }
0x1: {  	(tag) =	ssettag $0x0;
	lr =	simm.s32 $0x1  }
0x2: {  	[smem:$0x3F9F] =	sst lr;
	_ =	strace $0xD0000000  }
0x3: {  	_ = 	snop  }
0x4: {  	_ = 	snop  }
0x5: {  	_ = 	snop  }
0x6: {  	_ = 	snop  }
0x7: {  	_ = 	snop  }
__scs_overlays_trampoline_lowered:
0x8: {  	[smem:$0x3FAE] =	sst s0  }
0x9: {  	[smem:$0x3FAF] =	sst s1  }
0xa: {  	[smem:$0x3FB0] =	sst s2  }
0xb: {  	[smem:$0x3FB1] =	sst s3  }
0xc: {  	[smem:$0x3FB2] =	sst s4  }
0xd: {  	[smem:$0x3FB3] =	sst s5  }
0xe: {  	[smem:$0x3FB4] =	sst s6  }
0xf: {  	[smem:$0x3FB5] =	sst s7  }
0x10: {  	[smem:$0x3FB6] =	sst s8  }
0x11: {  	[smem:$0x3FB7] =	sst s9;
	s0 =	simm.s32 @!p0 $0x0  }
0x12: {  	s1 =	sld [smem:$0x3F9D];
	s0 =	simm.s32 @p0 $0x1  }
0x13: {  	[smem:$0x3FB8] =	sst s0;
	s0 =	simm.s32 @!p1 $0x0  }
0x14: {  	s2 =	sld [smem:$0x3F9C];
	s0 =	simm.s32 @p1 $0x1  }
0x15: {  	[smem:$0x3FB9] =	sst s0;
	s0 =	simm.s32 @!p2 $0x0  }
0x16: {  	s3 =	sld [smem:$0x3FDB];
	s0 =	simm.s32 @p2 $0x1  }
0x17: {  	s4 =	simm.s32 $0x1BF5;
	[smem:$0x3FBB] =	sst s0  }
0x18: {  	s0 =	sld [smem:$0x3F9E];
	_ =	swait.ge [sflag:s4], $0x0  }
0x19: {  	s7 =	sld [smem:$0x3F9F]  }
0x1a: {  	s8 =	sadd.s32 $0xFFFFE003, lr  }
0x1b: {  	s9 =	sadd.s32 $0xFFFFFEF7, lr;
	s5 =	simm.s32 $0xFFFFFFFF;
	p2 =	slt.u32 s8, $0xFFFFF086  }
0x1c: {  	p1 =	slt.u32 s9, $0xF7A;
	s5 =	simm.s32 @!p2 $0x0  }
0x1d: {  	s5 =	simm.s32 @p1 $0x1;
	p0 =	seq.s32 s7, s2  }
0x1e: {  	s7 =	smul.u32 @!p0 $0xF7A, s2;
	p2 =	seq.s32 @!p0 s5, $0x0  }
0x1f: {  	s9 =	smul.u32 $0xF7A, s1;
	s8 =	simm.s32 @!p0 $0x1BF5;
	p2 =	por !p2, p0  }
0x20: {  	[sflag:s8] =	ssyncset.s32 @!p0 $0xFFFFF086;
	s6 =	sadd.s32 @!p0 s3, s7;
	s7 =	simm.s32 @!p0 $0x108  }
0x21: {  	s3 =	sadd.s32 s3, s9;
	s6 =	sadd.s32 @!p0 $0x88, s6;
	s7 =	simm.s32 @p2 $0x1082  }
0x22: {  	[simem:s7], [sflag:s8] =	dma.local @!p0 [hbm:s6], $0xF7A  }
0x23: {  	s9 =	sor.u32 $0xD0000000, s2;
	s6 =	simm.s32 $0x108;
	_ =	swait.ge @!p0 [sflag:s8], $0x0  }
0x24: {  	s3 =	sadd.s32 $0x88, s3;
	s6 =	simm.s32 @!p1 $0x1082;
	[sflag:s4] =	ssyncset.s32 $0xFFFFF086  }
0x25: {  	[simem:s6], [sflag:s4] =	dma.local [hbm:s3], $0xF7A  }
0x26: {  	[smem:$0x3F9F] =	sst s1;
	(tag) =	ssettag s2;
	_ =	strace s9  }
0x27: {  	s1 =	sld [smem:$0x3FAF]  }
0x28: {  	s2 =	sld [smem:$0x3FB0]  }
0x29: {  	s4 =	sld [smem:$0x3FB2]  }
0x2a: {  	p0 =	seq.s32 s5, $0x0;
	s5 =	sld [smem:$0x3FB3]  }
0x2b: {  	s6 =	sld [smem:$0x3FB4]  }
0x2c: {  	s7 =	sld [smem:$0x3FB5]  }
0x2d: {  	s3 =	simm.s32 $0x108;
	s8 =	sld [smem:$0x3FB6]  }
0x2e: {  	s3 =	simm.s32 @!p0 $0x1082;
	s9 =	sld [smem:$0x3FB7]  }
0x2f: {  	lr =	sadd.s32 s0, s3;
	s0 =	sld [smem:$0x3FAE]  }
0x30: {  	s3 =	sld [smem:$0x3FB1]  }
0x31: {  	[smem:$0x3FBA] =	sst s10  }
0x32: {  	s10 =	sld [smem:$0x3FB8];
	_ =	sdelay $0x3  }
0x33: {  	p0 =	seq.s32 s10, $0x1;
	s10 =	sld [smem:$0x3FBA];
	_ =	sdelay $0x3  }
0x34: {  	[smem:$0x3FBA] =	sst s10  }
0x35: {  	s10 =	sld [smem:$0x3FB9];
	_ =	sdelay $0x3  }
0x36: {  	p1 =	seq.s32 s10, $0x1;
	s10 =	sld [smem:$0x3FBA];
	_ =	sdelay $0x3  }
0x37: {  	[smem:$0x3FBA] =	sst s10  }
0x38: {  	s10 =	sld [smem:$0x3FBB]  }
0x39: {  	_ = 	snop;
	(pc) =	sbr.ind lr, $3  }
0x3a: {  	_ = 	snop  }
0x3b: {  	_ = 	snop  }
0x3c: {  	p2 =	seq.s32 s10, $0x1;
	s10 =	sld [smem:$0x3FBA]  }
0x3d: {  	_ =	shalt  }
0x3e: {  	_ =	shalt  }
0x3f: {  	_ =	shalt  }
0x40: {  	_ =	shalt  }
0x41: {  	_ =	shalt  }
0x42: {  	_ =	shalt  }
0x43: {  	_ =	shalt  }
0x44: {  	_ =	shalt  }
0x45: {  	_ =	shalt  }
0x46: {  	_ =	shalt  }
0x47: {  	_ =	shalt  }
0x48: {  	_ =	shalt  }
0x49: {  	_ =	shalt  }
0x4a: {  	_ =	shalt  }
0x4b: {  	_ =	shalt  }
0x4c: {  	_ =	shalt  }
0x4d: {  	_ =	shalt  }
0x4e: {  	_ =	shalt  }
0x4f: {  	_ =	shalt  }
0x50: {  	_ =	shalt  }
0x51: {  	_ =	shalt  }
0x52: {  	_ =	shalt  }
0x53: {  	_ =	shalt  }
0x54: {  	_ =	shalt  }
0x55: {  	_ =	shalt  }
0x56: {  	_ =	shalt  }
0x57: {  	_ =	shalt  }
0x58: {  	_ =	shalt  }
0x59: {  	_ =	shalt  }
0x5a: {  	_ =	shalt  }
0x5b: {  	_ =	shalt  }
0x5c: {  	_ =	shalt  }
0x5d: {  	_ =	shalt  }
0x5e: {  	_ =	shalt  }
0x5f: {  	_ =	shalt  }
0x60: {  	_ =	shalt  }
0x61: {  	_ =	shalt  }
0x62: {  	_ =	shalt  }
0x63: {  	_ =	shalt  }
0x64: {  	_ =	shalt  }
0x65: {  	_ =	shalt  }
0x66: {  	_ =	shalt  }
0x67: {  	_ =	shalt  }
0x68: {  	_ =	shalt  }
0x69: {  	_ =	shalt  }
0x6a: {  	_ =	shalt  }
0x6b: {  	_ =	shalt  }
0x6c: {  	_ =	shalt  }
0x6d: {  	_ =	shalt  }
0x6e: {  	_ =	shalt  }
0x6f: {  	_ =	shalt  }
0x70: {  	_ =	shalt  }
0x71: {  	_ =	shalt  }
0x72: {  	_ =	shalt  }
0x73: {  	_ =	shalt  }
0x74: {  	_ =	shalt  }
0x75: {  	_ =	shalt  }
0x76: {  	_ =	shalt  }
0x77: {  	_ =	shalt  }
0x78: {  	_ =	shalt  }
0x79: {  	_ =	shalt  }
0x7a: {  	_ =	shalt  }
0x7b: {  	_ =	shalt  }
0x7c: {  	_ =	shalt  }
0x7d: {  	_ =	shalt  }
0x7e: {  	_ =	shalt  }
0x7f: {  	_ =	shalt  }
0x80: {  	_ =	shalt  }
0x81: {  	_ =	shalt  }
0x82: {  	_ =	shalt  }
0x83: {  	_ =	shalt  }
0x84: {  	_ =	shalt  }
0x85: {  	_ =	shalt  }
0x86: {  	_ =	shalt  }
0x87: {  	_ =	shalt  }
.Lfunc_end0:
.L_simem_size_0:
called_computation_lowered:
.L_overlay_start_0:
0x88: {  	s0 =	sld [smem:$0x3FD9]  }
0x89: {  	s1 =	sld [smem:$0x3FFE];
	_ =	sdelay $0x3  }
0x8a: {  	s0 =	sadd.s32 s1, s0  }
0x8b: {  	[smem:$0x3FC6] =	sst s0  }
0x8c: {  	_ = 	snop  }
0x8d: {  	s0 =	sld [smem:$0x3FD0];
	_ =	sdelay $0x2  }
0x8e: {  	s13 =	simm.s32 $0xA;
	s2 =	simm.s32 $0x10  }
0x8f: {  	[smem:s2], [sflag:s13] =	dma.local [hbm:s0], $0x1  }
0x90: {  	_ =	swait.eq [sflag:s13], $0x1  }
0x91: {  	[sflag:s13] =	ssyncset.done $0x0  }
0x92: {  	[sflag:s13] =	ssyncadd.s32 $0xFFFFFFFF  }
0x93: {  	s14 =	sld [smem:$0x10];
	(tm) =	ssettm $0x1  }
0x94: {  	s15 =	sld [smem:$0x3FFB];
	_ =	sdelay $0x3  }
0x95: {  	_ =	strace s15  }
0x96: {  	s1 =	sld [smem:$0x3FFC];
	_ =	sdelay $0x3  }
0x97: {  	_ =	strace s1  }
0x98: {  	s1 =	sld [smem:$0x3FFD];
	_ =	sdelay $0x3  }
0x99: {  	_ =	strace s1  }
0x9a: {  	_ =	strace $0x8FFFFFFF  }
0x9b: {  	s16 =	sld [smem:$0x3FDB];
	_ =	sdelay $0x1  }
0x9c: {  	s17 =	simm.s32 $_scs_section_size  }
0x9d: {  	s3 =	simm.s32 $_size__tile_overlayer_lowered;
	s4 =	simm.s32 $_tile_overlayer_lowered  }
0x9e: {  	s20 =	simm.s32 $0x1BFF;
	s19 =	sshll.u32 s4, $0x1;
	s1 =	sadd.s32 s17, s16  }
0x9f: {  	s5 =	simm.s32 $0x0;
	s18 =	sshll.u32 s3, $0x1;
	s3 =	sadd.s32 s19, s1  }
0xa0: {  	[timem:s5], [sflag:s20] =	dma.local [hbm:s3], s18  }
0xa1: {  	_ =	swait.ge [sflag:s20], s18  }
0xa2: {  	s2 =	ssub.s32 $0x0, s18;
	[sflag:s20] =	ssyncset.done $0x0  }
0xa3: {  	[sflag:s20] =	ssyncadd.s32 s2;
	_ =	sdelay $0x1  }
0xa4: {  	s21 =	simm.s32 $0x1B8B  }
0xa5: {  	_ =	swait.ge [sflag:s21], $0x1  }
0xa6: {  	[sflag:s21] =	ssyncset.done $0x0  }
0xa7: {  	s23 =	simm.s32 $0x1B8E;
	s22 =	sld [smem:$0x3FFE];
	[sflag:s21] =	ssyncadd.s32 $0xFFFFFFFF  }
0xa8: {  	s24 =	simm.s32 $execute0_lowered;
	[smem:$0x3FD2] =	sst s23  }
0xa9: {  	s3 =	sshll.u32 s24, $0x1;
	_ =	strace $0x80000046;
	[dreg:$0x1] =	wrdreg $0xFFFFFFFF  }
0xaa: {  	s25 =	simm.s32 $_size_execute0_lowered;
	s1 =	sadd.s32 s1, s3;
	[dreg:$0x0] =	wrdreg $0x0  }
0xab: {  	s3 =	sshll.u32 s25, $0x1;
	[dreg:$0x2] =	wrdreg s1  }
0xac: {  	[dreg:$0x3] =	wrdreg s3  }
0xad: {  	[dreg:$0x4] =	wrdreg $0xC0  }
0xae: {  	_ =	task [dreg:s5], $0x5FFFF  }
0xaf: {  	[dreg:$0x1] =	wrdreg $0xFFFFFFFF  }
0xb0: {  	[dreg:$0x0] =	wrdreg $0x60  }
0xb1: {  	[dreg:$0x2] =	wrdreg s14  }
0xb2: {  	[dreg:$0x3] =	wrdreg s22  }
0xb3: {  	[dreg:$0x4] =	wrdreg $0x9  }
0xb4: {  	_ =	task.clear_ibuf [dreg:s5], $0x5FFFF;
	_ =	strace $0x90000046  }
0xb5: {  	s26 =	simm.s32 $0x9;
	_ =	strace $0x80000048  }
0xb6: {  	_ =	swait.ge [sflag:s26], $0x1  }
0xb7: {  	[sflag:s26] =	ssyncadd.s32 $0xFFFFFFFF  }
0xb8: {  	_ =	strace $0x90000048  }
0xb9: {  	_ =	sfence  }
0xba: {  	s28 =	sld [smem:$0x0];
	_ =	sdelay $0x1  }
0xbb: {  	s29 =	srdreg.scid  }
0xbc: {  	s30 =	sshll.u32 s29, $0xD;
	s31 =	sshrl.u32 s29, $0x2  }
0xbd: {  	s2 =	sand.u32 $0x4000, s30;
	s1 =	sand.u32 $0x1, s29;
	s0 =	sadd.s32 s31, s28  }
0xbe: {  	s1 =	sor.u32 s2, s1;
	s0 =	sshll.u32 s0, $0x11  }
0xbf: {  	s0 =	sor.u32 s0, s1  }
0xc0: {  	s0 =	sadd.s32 $0x8F2B, s0  }
0xc1: {  	[sflag:s0] =	ssyncadd.remote.s32 $0x1  }
0xc2: {  	_ =	sfence.sel $0xFFFF  }
0xc3: {  	[dreg:$0x0] =	wrdreg $0xFFFFFFFF;
	(pc) =	sbr.abs _section_cstart, $3  }
0xc4: {  	[dreg:$0x1] =	wrdreg $0xFFFFFFFF  }
0xc5: {  	_ =	task.clear_ibuf [dreg:s5], $0x2FFFF;
	_ =	strace $0x9FFFFFFF  }
0xc6: {  	(tm) =	ssettm $0x7FFFFFFF  }
0xc7: {  	_ =	shalt  }
tec
execute0_lowered:
.L_overlay_start_1:
0x0: {  	(tag) =	ssettag $0x1  }
0x1: {  	s1 =	rddreg [dreg:$0x0]  }
0x2: {  	s5 =	rddreg [dreg:$0x1]  }
0x3: {  	s0 =	rddreg [dreg:$0x2];
	s6 =	stileid.u32  }
0x4: {  	_ =	strace $0x80000047;
	s3 =	simm.s32 $0x3E;
	p0 =	sne.s32 s6, $0x0  }
0x5: {  	[sflag:s3] =	ssyncpa.u1 $0x0;
	s4 =	simm.s32 @!p0 $0x1C3E;
	s2 =	simm.s32 @!p0 $0x0  }
0x6: {  	[spmem:s2], [sflag:s4] =	dma.local @!p0 [hbm:s1], $0x40  }
0x7: {  	s4 =	simm.s32 @!p0 $0x3E  }
0x8: {  	_ =	swait.ge @!p0 [sflag:s4], $0x40  }
0x9: {  	[sflag:s4] =	ssyncset.done @!p0 $0x0  }
0xa: {  	s9 =	simm.s32 $0x120;
	[sflag:s4] =	ssyncadd.s32 @!p0 $0xFFFFFFC0  }
0xb: {  	s7 =	sadd.s32 $0xC00000, s5;
	s8 =	sadd.s32 $0xC00200, s5;
	[bflag:$0x0] =	sbarrier.arrive $0xFFFF  }
0xc: {  	s6 =	sshll.u32 s6, $0x5;
	[sflag:s3] =	ssyncpa.u1 $0x1;
	s3 =	simm.s32 $0x1  }
0xd: {  	s5 =	simm.s32 $0x0;
	s4 =	simm.s32 $0x2;
	[sflag:s3] =	ssyncpa.u1 $0x0  }
0xe: {  	s7 =	sadd.s32 s7, s6;
	(ifvalue) =	ssetifvalue $0x200;
	[sflag:s4] =	ssyncpa.u1 $0x0  }
0xf: {  	[tilespmem:s9], [sflag:$0x2] =	stream.linear.gather [hbm4b:s7+s5], $0x100, $0x38;
	[tilespmem:$0x420] =	vst v63  }
0x10: {  	s23 =	simm.s32 $0x320;
	s6 =	sadd.s32 s8, s6  }
0x11: {  	[tilespmem:s23], [sflag:$0x2] =	stream.linear.gather [hbm4b:s6+s5], $0x100, $0x38;
	[tilespmem:$0x420] =	vst v63  }
0x12: {  	_ =	swait.ge [sflag:s4], $0x200  }
0x13: {  	[sflag:s4] =	ssyncset.done $0x0  }
0x14: {  	[sflag:s4] =	ssyncadd.s32 $0xFFFFFE00  }
0x15: {  	v0 =	vld.msk [tilespmem:s9+$0x0 ss:$0x1], $0xffff;
	_ =	sdelay $0x4  }
0x16: {  	v0 =	vmin.u32 v0, $0x200;
	_ =	sdelay $0x3  }
0x17: {  	vm0 =	vmmov $0xffff;
	s24 =	simm.s32 $0x130  }
0x18: {  	[spmem:s5] =	stream.indirect_vreg.scatter.add.s32 [tilespmem:s23], [sflag:$0x1], $0x1, v0, vm0, $0x4038;
	[tilespmem:$0x420] =	vst v63  }
0x19: {  	v0 =	vld.msk [tilespmem:s24+$0x0 ss:$0x1], $0xffff;
	_ =	sdelay $0x4  }
0x1a: {  	v0 =	vmin.u32 v0, $0x200;
	_ =	sdelay $0x3  }
0x1b: {  	s25 =	simm.s32 $0x330;
	s26 =	simm.s32 $0x140  }
0x1c: {  	[spmem:s5] =	stream.indirect_vreg.scatter.add.s32 [tilespmem:s25], [sflag:$0x1], $0x1, v0, vm0, $0x4038;
	[tilespmem:$0x420] =	vst v63  }
0x1d: {  	v0 =	vld.msk [tilespmem:s26+$0x0 ss:$0x1], $0xffff;
	_ =	sdelay $0x4  }
0x1e: {  	v0 =	vmin.u32 v0, $0x200;
	_ =	sdelay $0x3  }
0x1f: {  	s28 =	simm.s32 $0x340;
	s29 =	simm.s32 $0x150  }
0x20: {  	[spmem:s5] =	stream.indirect_vreg.scatter.add.s32 [tilespmem:s28], [sflag:$0x1], $0x1, v0, vm0, $0x4038;
	[tilespmem:$0x420] =	vst v63  }
0x21: {  	v0 =	vld.msk [tilespmem:s29+$0x0 ss:$0x1], $0xffff;
	_ =	sdelay $0x4  }
0x22: {  	v0 =	vmin.u32 v0, $0x200;
	_ =	sdelay $0x3  }
0x23: {  	s30 =	simm.s32 $0x350;
	s31 =	simm.s32 $0x160  }
0x24: {  	[spmem:s5] =	stream.indirect_vreg.scatter.add.s32 [tilespmem:s30], [sflag:$0x1], $0x1, v0, vm0, $0x4038;
	[tilespmem:$0x420] =	vst v63  }
0x25: {  	v0 =	vld.msk [tilespmem:s31+$0x0 ss:$0x1], $0xffff;
	_ =	sdelay $0x4  }
0x26: {  	v0 =	vmin.u32 v0, $0x200;
	_ =	sdelay $0x3  }
0x27: {  	s8 =	simm.s32 $0x170;
	s7 =	simm.s32 $0x360  }
0x28: {  	[spmem:s5] =	stream.indirect_vreg.scatter.add.s32 [tilespmem:s7], [sflag:$0x1], $0x1, v0, vm0, $0x4038;
	[tilespmem:$0x420] =	vst v63  }
0x29: {  	v0 =	vld.msk [tilespmem:s8+$0x0 ss:$0x1], $0xffff;
	_ =	sdelay $0x4  }
0x2a: {  	v0 =	vmin.u32 v0, $0x200;
	_ =	sdelay $0x3  }
0x2b: {  	s10 =	simm.s32 $0x180;
	s9 =	simm.s32 $0x370  }
0x2c: {  	[spmem:s5] =	stream.indirect_vreg.scatter.add.s32 [tilespmem:s9], [sflag:$0x1], $0x1, v0, vm0, $0x4038;
	[tilespmem:$0x420] =	vst v63  }
0x2d: {  	v0 =	vld.msk [tilespmem:s10+$0x0 ss:$0x1], $0xffff;
	_ =	sdelay $0x4  }
0x2e: {  	v0 =	vmin.u32 v0, $0x200;
	_ =	sdelay $0x3  }
0x2f: {  	s11 =	simm.s32 $0x380;
	s12 =	simm.s32 $0x190  }
0x30: {  	[spmem:s5] =	stream.indirect_vreg.scatter.add.s32 [tilespmem:s11], [sflag:$0x1], $0x1, v0, vm0, $0x4038;
	[tilespmem:$0x420] =	vst v63  }
0x31: {  	v0 =	vld.msk [tilespmem:s12+$0x0 ss:$0x1], $0xffff;
	_ =	sdelay $0x4  }
0x32: {  	v0 =	vmin.u32 v0, $0x200;
	_ =	sdelay $0x3  }
0x33: {  	s13 =	simm.s32 $0x390;
	s14 =	simm.s32 $0x1A0  }
0x34: {  	[spmem:s5] =	stream.indirect_vreg.scatter.add.s32 [tilespmem:s13], [sflag:$0x1], $0x1, v0, vm0, $0x4038;
	[tilespmem:$0x420] =	vst v63  }
0x35: {  	v0 =	vld.msk [tilespmem:s14+$0x0 ss:$0x1], $0xffff;
	_ =	sdelay $0x4  }
0x36: {  	v0 =	vmin.u32 v0, $0x200;
	_ =	sdelay $0x3  }
0x37: {  	s15 =	simm.s32 $0x3A0;
	s16 =	simm.s32 $0x1B0  }
0x38: {  	[spmem:s5] =	stream.indirect_vreg.scatter.add.s32 [tilespmem:s15], [sflag:$0x1], $0x1, v0, vm0, $0x4038;
	[tilespmem:$0x420] =	vst v63  }
0x39: {  	v0 =	vld.msk [tilespmem:s16+$0x0 ss:$0x1], $0xffff;
	_ =	sdelay $0x4  }
0x3a: {  	v0 =	vmin.u32 v0, $0x200;
	_ =	sdelay $0x3  }
0x3b: {  	s17 =	simm.s32 $0x3B0;
	s18 =	simm.s32 $0x1C0  }
0x3c: {  	[spmem:s5] =	stream.indirect_vreg.scatter.add.s32 [tilespmem:s17], [sflag:$0x1], $0x1, v0, vm0, $0x4038;
	[tilespmem:$0x420] =	vst v63  }
0x3d: {  	v0 =	vld.msk [tilespmem:s18+$0x0 ss:$0x1], $0xffff;
	_ =	sdelay $0x4  }
0x3e: {  	v0 =	vmin.u32 v0, $0x200;
	_ =	sdelay $0x3  }
0x3f: {  	s19 =	simm.s32 $0x3C0;
	s20 =	simm.s32 $0x1D0  }
0x40: {  	[spmem:s5] =	stream.indirect_vreg.scatter.add.s32 [tilespmem:s19], [sflag:$0x1], $0x1, v0, vm0, $0x4038;
	[tilespmem:$0x420] =	vst v63  }
0x41: {  	v0 =	vld.msk [tilespmem:s20+$0x0 ss:$0x1], $0xffff;
	_ =	sdelay $0x4  }
0x42: {  	v0 =	vmin.u32 v0, $0x200;
	_ =	sdelay $0x3  }
0x43: {  	s21 =	simm.s32 $0x3D0;
	s22 =	simm.s32 $0x1E0  }
0x44: {  	[spmem:s5] =	stream.indirect_vreg.scatter.add.s32 [tilespmem:s21], [sflag:$0x1], $0x1, v0, vm0, $0x4038;
	[tilespmem:$0x420] =	vst v63  }
0x45: {  	v0 =	vld.msk [tilespmem:s22+$0x0 ss:$0x1], $0xffff;
	_ =	sdelay $0x4  }
0x46: {  	v0 =	vmin.u32 v0, $0x200;
	_ =	sdelay $0x3  }
0x47: {  	s23 =	simm.s32 $0x3E0;
	s24 =	simm.s32 $0x1F0  }
0x48: {  	[spmem:s5] =	stream.indirect_vreg.scatter.add.s32 [tilespmem:s23], [sflag:$0x1], $0x1, v0, vm0, $0x4038;
	[tilespmem:$0x420] =	vst v63  }
0x49: {  	v0 =	vld.msk [tilespmem:s24+$0x0 ss:$0x1], $0xffff;
	_ =	sdelay $0x4  }
0x4a: {  	v0 =	vmin.u32 v0, $0x200;
	_ =	sdelay $0x3  }
0x4b: {  	s25 =	simm.s32 $0x3F0;
	s26 =	simm.s32 $0x200  }
0x4c: {  	[spmem:s5] =	stream.indirect_vreg.scatter.add.s32 [tilespmem:s25], [sflag:$0x1], $0x1, v0, vm0, $0x4038;
	[tilespmem:$0x420] =	vst v63  }
0x4d: {  	v0 =	vld.msk [tilespmem:s26+$0x0 ss:$0x1], $0xffff;
	_ =	sdelay $0x4  }
0x4e: {  	v0 =	vmin.u32 v0, $0x200;
	_ =	sdelay $0x3  }
0x4f: {  	s28 =	simm.s32 $0x400;
	s29 =	simm.s32 $0x210  }
0x50: {  	[spmem:s5] =	stream.indirect_vreg.scatter.add.s32 [tilespmem:s28], [sflag:$0x1], $0x1, v0, vm0, $0x4038;
	[tilespmem:$0x420] =	vst v63  }
0x51: {  	v0 =	vld.msk [tilespmem:s29+$0x0 ss:$0x1], $0xffff;
	_ =	sdelay $0x4  }
0x52: {  	v0 =	vmin.u32 v0, $0x200;
	_ =	sdelay $0x3  }
0x53: {  	s30 =	simm.s32 $0x410  }
0x54: {  	[spmem:s5] =	stream.indirect_vreg.scatter.add.s32 [tilespmem:s30], [sflag:$0x1], $0x1, v0, vm0, $0x4038;
	[tilespmem:$0x420] =	vst v63  }
0x55: {  	_ =	swait.ge [sflag:s3], $0x100  }
0x56: {  	[sflag:s3] =	ssyncset.done $0x0  }
0x57: {  	[sflag:s3] =	ssyncadd.s32 $0xFFFFFF00  }
0x58: {  	_ =	sfence.sel $0x180000  }
0x59: {  	[bflag:$0x0] =	sbarrier.arrive $0xFFFF  }
0x5a: {  	[sflag:s4] =	ssyncpa.u1 $0x1  }
0x5b: {  	[sflag:s3] =	ssyncpa.u1 $0x1  }
0x5c: {  	_ =	sfence.stream.spmem  }
0x5d: {  	s31 =	simm.s32 $0x3D;
	[bflag:$0x0] =	sbarrier.arrive $0xFFFF  }
0x5e: {  	s3 =	simm.s32 @p0 $0x3D;
	[sflag:s31] =	ssyncpa.u1 $0x0  }
0x5f: {  	[sflag:s3] =	ssyncpa.u1 @p0 $0x1  }
0x60: {  	[bflag:$0x0] =	sbarrier.arrive @p0 $0xFFFF  }
0x61: {  	_ =	strace @p0 $0x90000047  }
0x62: {  	s3 =	simm.s32 @!p0 $0x1C3D;
	[bflag:$0x2] =	sbarrier.arrive @p0 $0xFFFF  }
0x63: {  	[hbm:s1], [sflag:s3] =	dma.local @!p0 [spmem:s2], $0x40  }
0x64: {  	s1 =	simm.s32 @!p0 $0x3D  }
0x65: {  	_ =	swait.ge @!p0 [sflag:s1], $0x40  }
0x66: {  	[sflag:s1] =	ssyncset.done @!p0 $0x0  }
0x67: {  	[sflag:s1] =	ssyncadd.s32 @!p0 $0xFFFFFFC0  }
0x68: {  	[sflag:s1] =	ssyncpa.u1 @!p0 $0x1  }
0x69: {  	[bflag:$0x0] =	sbarrier.arrive @!p0 $0xFFFF  }
0x6a: {  	_ =	strace @!p0 $0x90000047  }
0x6b: {  	s0 =	sadd.s32 @!p0 $0x100000, s0;
	[bflag:$0x2] =	sbarrier.arrive @!p0 $0xFFFF  }
0x6c: {  	[sflag:s0] =	ssyncadd.tile.s32 @!p0 $0x1;
	_ =	shalt  }
.Lfunc_end2:
_tile_overlayer_lowered:
.L_overlay_start_2:
0x6d: {  	(tag) =	ssettag $0x2  }
0x6e: {  	s0 =	rddreg [dreg:$0x0];
	s2 =	stileid.u32  }
0x6f: {  	s1 =	rddreg [dreg:$0x1];
	p0 =	sne.s32 s2, $0x0  }
0x70: {  	s3 =	rddreg [dreg:$0x2];
	[bflag:$0x3] =	sbarrier.arrive $0xFFFF;
	s2 =	simm.s32 @!p0 $0x1C01  }
0x71: {  	[timem:s3], [sflag:s2] =	dma.local @!p0 [hbm:s0], s1  }
0x72: {  	s0 =	simm.s32 @!p0 $0x1  }
0x73: {  	_ =	swait.ge @!p0 [sflag:s0], s1  }
0x74: {  	s1 =	ssub.s32 @!p0 $0x0, s1;
	[sflag:s0] =	ssyncset.done @!p0 $0x0  }
0x75: {  	[sflag:s0] =	ssyncadd.s32 @!p0 s1  }
0x76: {  	[bflag:$0x3] =	sbarrier.arrive $0xFFFF  }
0x77: {  	_ =	shalt  }

</sc_bundles>
